<compile_context>
chip_gen: v7x
topology: tpu7x:2x2x1
jax: 0.10.2.dev20260603
libtpu: 0.0.44.dev20260713+nightly
codegen_flags: <defaults>
</compile_context>

<pallas_src>
import functools

import jax
import jax.numpy as jnp
from jax import lax
from jax.experimental import pallas as pl
from jax.experimental.pallas import tpu as pltpu

_FC = 8
_FS = 4
_CS = 8
_S = _CS * _CS
_HID2 = 768
_SC = _HID2 // _FC
_CD = _SC // 2


def _body(x_ref, wpp_ref, wpv_ref, bpp_ref, bpv_ref, wm_ref, bm_ref, ab_ref,
          pool_ref, o_ref):
    L = x_ref.shape[-1]

    pool = pool_ref[...]
    xb = x_ref[0, 0, 0]
    xpp = jnp.dot(wpp_ref[...], xb,
                  preferred_element_type=jnp.float32) + bpp_ref[...]
    xpv = jnp.dot(wpv_ref[...], xb,
                  preferred_element_type=jnp.float32) + bpv_ref[...]
    xpv16 = xpv.astype(jnp.bfloat16)

    p_h = xpp.astype(jnp.bfloat16)
    r1 = xpp - p_h.astype(jnp.float32)
    p_m = r1.astype(jnp.bfloat16)
    p_l = (r1 - p_m.astype(jnp.float32)).astype(jnp.bfloat16)
    stk = jnp.concatenate([p_h, p_m, p_l, xpv16], axis=0)
    cs = lax.dot_general(pool, stk, (((0,), (1,)), ((), ())),
                         preferred_element_type=jnp.float32)
    npt = _FC * _CD
    inv_blk = jnp.float32(1.0 / 49.0)
    cptT_all = (cs[:, :npt] + cs[:, npt:2 * npt] + cs[:, 2 * npt:3 * npt]
                ) * inv_blk
    cvtT_all = cs[:, 3 * npt:] * inv_blk

    alpha = ab_ref[0, 0]
    beta = ab_ref[0, 1]

    disp_parts = []
    for g in range(_FC):
        base = g * _CD
        xpt = xpp[base:base + _CD]
        xv16 = xpv16[base:base + _CD]
        cptT = cptT_all[:, base:base + _CD]
        cvtT = cvtT_all[:, base:base + _CD]

        nx = xpt * (1.0 / jnp.maximum(
            jnp.sqrt(jnp.sum(xpt * xpt, axis=0, keepdims=True)), 1e-12))
        ncT = cptT * (1.0 / jnp.maximum(
            jnp.sqrt(jnp.sum(cptT * cptT, axis=1, keepdims=True)), 1e-12))

        simT = lax.dot_general(ncT.astype(jnp.bfloat16), nx.astype(jnp.bfloat16),
                               (((1,), (0,)), ((), ())),
                               preferred_element_type=jnp.float32)

        maxs = jnp.max(simT, axis=0, keepdims=True)
        maxv = jax.nn.sigmoid(alpha * maxs + beta)
        oht = jnp.where(simT == maxs, maxv, jnp.float32(0.0))

        cnt = jnp.sum(oht, axis=1, keepdims=True) + 1.0
        oht16 = oht.astype(jnp.bfloat16)
        aggT = lax.dot_general(oht16, xv16, (((1,), (1,)), ((), ())),
                               preferred_element_type=jnp.float32)
        aggn = (aggT + cvtT) / cnt
        disp = lax.dot_general(aggn.astype(jnp.bfloat16), oht16,
                               (((0,), (0,)), ((), ())),
                               preferred_element_type=jnp.float32)
        disp_parts.append(disp.astype(jnp.bfloat16))

    dispf = jnp.concatenate(disp_parts, axis=0)
    out = jnp.dot(wm_ref[...], dispf, preferred_element_type=jnp.float32)
    o_ref[0, 0, 0] = (out + bm_ref[...]).astype(jnp.bfloat16)


def kernel(x, W_proj, b_proj, W_merge, b_merge, alpha, beta):
    n, c_in, h, w = x.shape
    sh, sw = h // _FS, w // _FS
    L = sh * sw
    c_out = W_merge.shape[0]

    x2 = (x.astype(jnp.bfloat16)
           .reshape(n, c_in, _FS, sh, _FS, sw)
           .transpose(0, 2, 4, 1, 3, 5)
           .reshape(n, _FS, _FS, c_in, L))
    gidx = jnp.arange(_FC, dtype=jnp.int32)[:, None] * _SC
    pidx = (gidx + jnp.arange(_CD, dtype=jnp.int32)[None, :]).reshape(-1)
    vidx = pidx + _CD
    wpp = W_proj[pidx].astype(jnp.bfloat16)
    wpv = W_proj[vidx].astype(jnp.bfloat16)
    bpp = b_proj[pidx].reshape(-1, 1)
    bpv = b_proj[vidx].reshape(-1, 1)
    bm = b_merge.reshape(-1, 1)
    ab = jnp.concatenate([alpha, beta]).reshape(1, 2)

    blk = sw // _CS
    li = jnp.arange(L, dtype=jnp.int32)
    seg = (li // sw // blk) * _CS + (li % sw) // blk
    pool = (seg[:, None] == jnp.arange(_S, dtype=jnp.int32)[None, :]
            ).astype(jnp.bfloat16)

    grid = (n, _FS, _FS)
    out2 = pl.pallas_call(
        _body,
        grid=grid,
        in_specs=[
            pl.BlockSpec((1, 1, 1, c_in, L), lambda i, j, k: (i, j, k, 0, 0)),
            pl.BlockSpec((_FC * _CD, c_in), lambda i, j, k: (0, 0)),
            pl.BlockSpec((_FC * _CD, c_in), lambda i, j, k: (0, 0)),
            pl.BlockSpec((_FC * _CD, 1), lambda i, j, k: (0, 0)),
            pl.BlockSpec((_FC * _CD, 1), lambda i, j, k: (0, 0)),
            pl.BlockSpec((c_out, _FC * _CD), lambda i, j, k: (0, 0)),
            pl.BlockSpec((c_out, 1), lambda i, j, k: (0, 0)),
            pl.BlockSpec(memory_space=pltpu.SMEM),
            pl.BlockSpec((L, _S), lambda i, j, k: (0, 0)),
        ],
        out_specs=pl.BlockSpec((1, 1, 1, c_out, L),
                               lambda i, j, k: (i, j, k, 0, 0)),
        out_shape=jax.ShapeDtypeStruct((n, _FS, _FS, c_out, L), jnp.bfloat16),
        compiler_params=pltpu.CompilerParams(
            dimension_semantics=("parallel", "parallel", "parallel")),
    )(x2, wpp, wpv, bpp, bpv, W_merge.astype(jnp.bfloat16), bm, ab, pool)

    out = (out2.reshape(n, _FS, _FS, c_out, sh, sw)
                .transpose(0, 3, 1, 4, 2, 5)
                .reshape(n, c_out, h, w)
                .astype(jnp.float32))
    return out

# --- scband reference (transcript-rebuilt; emitter-appended) ---
"""Pipeline reference for scband-local-cluster-1434519077360 (READ-ONLY COPY).

The authoritative reference and input builder live on the scoring server;
editing this copy changes nothing except your own understanding.
"""

import jax, jax.numpy as jnp
import numpy as np

IN_DEPTH = 384
HIDDEN = 384
FC = 8
CS = 8
FS = 4


def setup_inputs(seed: int = 0) -> dict:
    key = jax.random.key(seed)
    ks = jax.random.split(key, 4)
    x = jax.random.normal(ks[0], (2, IN_DEPTH, 224, 224), dtype=jnp.float32)
    W_proj = jax.random.normal(ks[1], (2 * HIDDEN, IN_DEPTH), dtype=jnp.float32) * (1.0 / np.sqrt(IN_DEPTH))
    b_proj = jnp.zeros((2 * HIDDEN,), jnp.float32)
    W_merge = jax.random.normal(ks[2], (IN_DEPTH, HIDDEN), dtype=jnp.float32) * (1.0 / np.sqrt(HIDDEN))
    b_merge = jnp.zeros((IN_DEPTH,), jnp.float32)
    alpha = jnp.ones((1,), jnp.float32)
    beta = jnp.zeros((1,), jnp.float32)
    return {"x": x, "W_proj": W_proj, "b_proj": b_proj, "W_merge": W_merge, "b_merge": b_merge, "alpha": alpha, "beta": beta}


def reference(x, W_proj, b_proj, W_merge, b_merge, alpha, beta):
    n, c_in, h, w = x.shape
    fc, fh, fw, cs = FC, FS, FS, CS
    sh, sw = h // fh, w // fw
    m = n * fc * fh * fw
    l = sh * sw
    s = cs * cs
    sc = (2 * HIDDEN) // fc
    cdim = sc // 2
    # proj: 1x1 conv
    xp = jnp.einsum('nchw,oc->nohw', x, W_proj) + b_proj[None, :, None, None]
    # rearrange 'n (fc sc) (fh sh) (fw sw) -> (n fc fh fw) sc sh sw'
    xr = xp.reshape(n, fc, sc, fh, sh, fw, sw)
    xr = jnp.transpose(xr, (0, 1, 3, 5, 2, 4, 6)).reshape(m, sc, sh, sw)
    # AdaptiveAvgPool2d(cs): sh, sw divisible by cs -> exact block means
    center = xr.reshape(m, sc, cs, sh // cs, cs, sw // cs).mean(axis=(3, 5))
    xf = xr.reshape(m, sc, l).transpose(0, 2, 1)
    cf = center.reshape(m, sc, s).transpose(0, 2, 1)
    x_point, x_value = xf[..., :cdim], xf[..., cdim:]
    c_point, c_value = cf[..., :cdim], cf[..., cdim:]
    nx = x_point / jnp.maximum(jnp.linalg.norm(x_point, axis=2, keepdims=True), 1e-12)
    nc = c_point / jnp.maximum(jnp.linalg.norm(c_point, axis=2, keepdims=True), 1e-12)
    sim = jnp.einsum('mlc,msc->mls', nx, nc)
    sim = jax.nn.sigmoid(alpha[0] * sim + beta[0])
    max_v = sim.max(axis=2)
    max_i = jnp.argmax(sim, axis=2)
    idx = (max_i + s * jnp.arange(m)[:, None]).reshape(-1)
    vflat = max_v.reshape(-1)
    xv = x_value.reshape(m * l, cdim)
    cv = c_value.reshape(m * s, cdim)
    cat_x = jnp.concatenate([xv, jnp.ones((m * l, 1), xv.dtype)], axis=1)
    cat_c = jnp.concatenate([cv, jnp.ones((m * s, 1), cv.dtype)], axis=1)
    agg = cat_c.at[idx].add(vflat[:, None] * cat_x)
    agg = agg[:, :-1] / agg[:, -1:]
    disp = vflat[:, None] * agg[idx]
    # '(n fc fh fw sh sw) sc -> n (fc sc) (fh sh) (fw sw)'
    disp = disp.reshape(n, fc, fh, fw, sh, sw, cdim)
    disp = jnp.transpose(disp, (0, 1, 6, 2, 4, 3, 5)).reshape(n, fc * cdim, fh * sh, fw * sw)
    out = jnp.einsum('nchw,oc->nohw', disp, W_merge) + b_merge[None, :, None, None]
    return out

if __name__ == "__main__":
    import jax
    _d = setup_inputs()
    print(jax.jit(kernel)(*tuple(_d.values())))

</pallas_src>

<mosaic_0001>
module attributes {stable_mosaic.version = 14 : i64} {
  func.func @_body(%arg0: i32, %arg1: i32, %arg2: i32, %arg3: memref<1x1x1x384x3136xbf16, #tpu.memory_space<vmem>>, %arg4: memref<384x384xbf16, #tpu.memory_space<vmem>>, %arg5: memref<384x384xbf16, #tpu.memory_space<vmem>>, %arg6: memref<384x1xf32, #tpu.memory_space<vmem>>, %arg7: memref<384x1xf32, #tpu.memory_space<vmem>>, %arg8: memref<384x384xbf16, #tpu.memory_space<vmem>>, %arg9: memref<384x1xf32, #tpu.memory_space<vmem>>, %arg10: memref<1x2xf32, #tpu.memory_space<smem>>, %arg11: memref<3136x64xbf16, #tpu.memory_space<vmem>>, %arg12: memref<1x1x1x384x3136xbf16, #tpu.memory_space<vmem>>) attributes {dimension_semantics = [#tpu.dimension_semantics<parallel>, #tpu.dimension_semantics<parallel>, #tpu.dimension_semantics<parallel>], iteration_bounds = array<i64: 2, 4, 4>, scalar_prefetch = 0 : i64, scratch_operands = 0 : i64, tpu.core_type = #tpu.core_type<tc>, window_params = [{transform_indices = @transform_0, window_bounds = array<i64: 1, 1, 1, 384, 3136>}, {pipeline_mode = #tpu.pipeline_mode<synchronous>, transform_indices = @transform_1, window_bounds = array<i64: 384, 384>}, {pipeline_mode = #tpu.pipeline_mode<synchronous>, transform_indices = @transform_2, window_bounds = array<i64: 384, 384>}, {pipeline_mode = #tpu.pipeline_mode<synchronous>, transform_indices = @transform_3, window_bounds = array<i64: 384, 1>}, {pipeline_mode = #tpu.pipeline_mode<synchronous>, transform_indices = @transform_4, window_bounds = array<i64: 384, 1>}, {pipeline_mode = #tpu.pipeline_mode<synchronous>, transform_indices = @transform_5, window_bounds = array<i64: 384, 384>}, {pipeline_mode = #tpu.pipeline_mode<synchronous>, transform_indices = @transform_6, window_bounds = array<i64: 384, 1>}, {transform_indices = @transform_7, window_bounds = array<i64: 1, 2>}, {pipeline_mode = #tpu.pipeline_mode<synchronous>, transform_indices = @transform_8, window_bounds = array<i64: 3136, 64>}, {transform_indices = @transform_9, window_bounds = array<i64: 1, 1, 1, 384, 3136>}]} {
    %get3A = arith.constant 0 : index
    %get3A_0 = arith.constant 0 : index
    %get3A_1 = vector.load %arg11[%get3A, %get3A_0] : memref<3136x64xbf16, #tpu.memory_space<vmem>>, vector<3136x64xbf16>
    %get3A_2 = arith.constant 0 : index
    %get3A_3 = arith.constant 0 : index
    %get3A_4 = arith.constant 0 : index
    %get3A_5 = arith.constant 0 : index
    %get3A_6 = arith.constant 0 : index
    %get3A_7 = vector.load %arg3[%get3A_2, %get3A_3, %get3A_4, %get3A_5, %get3A_6] : memref<1x1x1x384x3136xbf16, #tpu.memory_space<vmem>>, vector<1x1x1x384x3136xbf16>
    %get3A_8 = vector.shape_cast %get3A_7 : vector<1x1x1x384x3136xbf16> to vector<384x3136xbf16>
    %get3A_9 = arith.constant 0 : index
    %get3A_10 = arith.constant 0 : index
    %get3A_11 = vector.load %arg4[%get3A_9, %get3A_10] : memref<384x384xbf16, #tpu.memory_space<vmem>>, vector<384x384xbf16>
    %dot_general3A = arith.constant dense<0.000000e+00> : vector<384x3136xf32>
    %dot_general3A_12 = tpu.matmul %get3A_11, %get3A_8, %dot_general3A {dimension_numbers = #tpu.dot_dimension_numbers<[1], [0], [0], [1], [0, 0, 1, 1], [], []>, transpose_lhs_hint = false} : vector<384x384xbf16>, vector<384x3136xbf16>, vector<384x3136xf32> -> vector<384x3136xf32>
    %get3A_13 = arith.constant 0 : index
    %get3A_14 = arith.constant 0 : index
    %get3A_15 = vector.load %arg6[%get3A_13, %get3A_14] : memref<384x1xf32, #tpu.memory_space<vmem>>, vector<384x1xf32>
    %add3A = vector.broadcast %get3A_15 : vector<384x1xf32> to vector<384x3136xf32>
    %add3A_16 = arith.addf %dot_general3A_12, %add3A : vector<384x3136xf32>
    %get3A_17 = arith.constant 0 : index
    %get3A_18 = arith.constant 0 : index
    %get3A_19 = vector.load %arg5[%get3A_17, %get3A_18] : memref<384x384xbf16, #tpu.memory_space<vmem>>, vector<384x384xbf16>
    %dot_general3A_20 = arith.constant dense<0.000000e+00> : vector<384x3136xf32>
    %dot_general3A_21 = tpu.matmul %get3A_19, %get3A_8, %dot_general3A_20 {dimension_numbers = #tpu.dot_dimension_numbers<[1], [0], [0], [1], [0, 0, 1, 1], [], []>, transpose_lhs_hint = false} : vector<384x384xbf16>, vector<384x3136xbf16>, vector<384x3136xf32> -> vector<384x3136xf32>
    %get3A_22 = arith.constant 0 : index
    %get3A_23 = arith.constant 0 : index
    %get3A_24 = vector.load %arg7[%get3A_22, %get3A_23] : memref<384x1xf32, #tpu.memory_space<vmem>>, vector<384x1xf32>
    %add3A_25 = vector.broadcast %get3A_24 : vector<384x1xf32> to vector<384x3136xf32>
    %add3A_26 = arith.addf %dot_general3A_21, %add3A_25 : vector<384x3136xf32>
    %convert_element_type3A = arith.truncf %add3A_26 : vector<384x3136xf32> to vector<384x3136xbf16>
    %convert_element_type3A_27 = arith.truncf %add3A_16 : vector<384x3136xf32> to vector<384x3136xbf16>
    %convert_element_type3A_28 = arith.extf %convert_element_type3A_27 : vector<384x3136xbf16> to vector<384x3136xf32>
    %sub3A = arith.subf %add3A_16, %convert_element_type3A_28 : vector<384x3136xf32>
    %convert_element_type3A_29 = arith.truncf %sub3A : vector<384x3136xf32> to vector<384x3136xbf16>
    %convert_element_type3A_30 = arith.extf %convert_element_type3A_29 : vector<384x3136xbf16> to vector<384x3136xf32>
    %sub3A_31 = arith.subf %sub3A, %convert_element_type3A_30 : vector<384x3136xf32>
    %convert_element_type3A_32 = arith.truncf %sub3A_31 : vector<384x3136xf32> to vector<384x3136xbf16>
    %concatenate3A = tpu.concatenate %convert_element_type3A_27, %convert_element_type3A_29, %convert_element_type3A_32, %convert_element_type3A in 0 : vector<384x3136xbf16>, vector<384x3136xbf16>, vector<384x3136xbf16>, vector<384x3136xbf16> -> vector<1536x3136xbf16>
    %dot_general3A_33 = arith.constant dense<0.000000e+00> : vector<64x1536xf32>
    %dot_general3A_34 = tpu.matmul %get3A_1, %concatenate3A, %dot_general3A_33 {dimension_numbers = #tpu.dot_dimension_numbers<[0], [1], [1], [0], [0, 1, 1, 0], [], []>, transpose_lhs_hint = false} : vector<3136x64xbf16>, vector<1536x3136xbf16>, vector<64x1536xf32> -> vector<64x1536xf32>
    %slice3A = vector.extract_strided_slice %dot_general3A_34 {offsets = [0, 0], sizes = [64, 384], strides = [1, 1]} : vector<64x1536xf32> to vector<64x384xf32>
    %slice3A_35 = vector.extract_strided_slice %dot_general3A_34 {offsets = [0, 384], sizes = [64, 384], strides = [1, 1]} : vector<64x1536xf32> to vector<64x384xf32>
    %add3A_36 = arith.addf %slice3A, %slice3A_35 : vector<64x384xf32>
    %slice3A_37 = vector.extract_strided_slice %dot_general3A_34 {offsets = [0, 768], sizes = [64, 384], strides = [1, 1]} : vector<64x1536xf32> to vector<64x384xf32>
    %add3A_38 = arith.addf %add3A_36, %slice3A_37 : vector<64x384xf32>
    %mul3A = arith.constant 0.0204081628 : f32
    %mul3A_39 = vector.broadcast %mul3A : f32 to vector<64x384xf32>
    %mul3A_40 = arith.mulf %add3A_38, %mul3A_39 : vector<64x384xf32>
    %slice3A_41 = vector.extract_strided_slice %dot_general3A_34 {offsets = [0, 1152], sizes = [64, 384], strides = [1, 1]} : vector<64x1536xf32> to vector<64x384xf32>
    %mul3A_42 = arith.constant 0.0204081628 : f32
    %mul3A_43 = vector.broadcast %mul3A_42 : f32 to vector<64x384xf32>
    %mul3A_44 = arith.mulf %slice3A_41, %mul3A_43 : vector<64x384xf32>
    %get3A_45 = arith.constant 0 : index
    %get3A_46 = arith.constant 0 : index
    %get3A_47 = memref.load %arg10[%get3A_45, %get3A_46] : memref<1x2xf32, #tpu.memory_space<smem>>
    %get3A_48 = arith.constant 0 : index
    %get3A_49 = arith.constant 1 : index
    %get3A_50 = memref.load %arg10[%get3A_48, %get3A_49] : memref<1x2xf32, #tpu.memory_space<smem>>
    %slice3A_51 = vector.extract_strided_slice %add3A_16 {offsets = [0, 0], sizes = [48, 3136], strides = [1, 1]} : vector<384x3136xf32> to vector<48x3136xf32>
    %slice3A_52 = vector.extract_strided_slice %convert_element_type3A {offsets = [0, 0], sizes = [48, 3136], strides = [1, 1]} : vector<384x3136xbf16> to vector<48x3136xbf16>
    %slice3A_53 = vector.extract_strided_slice %mul3A_40 {offsets = [0, 0], sizes = [64, 48], strides = [1, 1]} : vector<64x384xf32> to vector<64x48xf32>
    %slice3A_54 = vector.extract_strided_slice %mul3A_44 {offsets = [0, 0], sizes = [64, 48], strides = [1, 1]} : vector<64x384xf32> to vector<64x48xf32>
    %mul3A_55 = arith.mulf %slice3A_51, %slice3A_51 : vector<48x3136xf32>
    %reduce_sum3A = arith.constant dense<0.000000e+00> : vector<3136xf32>
    %reduce_sum3A_56 = vector.multi_reduction <add>, %mul3A_55, %reduce_sum3A [0] : vector<48x3136xf32> to vector<3136xf32>
    %broadcast_in_dim3A = vector.shape_cast %reduce_sum3A_56 : vector<3136xf32> to vector<1x3136xf32>
    %sqrt3A = math.sqrt %broadcast_in_dim3A : vector<1x3136xf32>
    %max3A = arith.constant 9.99999996E-13 : f32
    %max3A_57 = vector.broadcast %max3A : f32 to vector<1x3136xf32>
    %max3A_58 = arith.maximumf %sqrt3A, %max3A_57 : vector<1x3136xf32>
    %div3A = arith.constant 1.000000e+00 : f32
    %div3A_59 = vector.broadcast %div3A : f32 to vector<1x3136xf32>
    %div3A_60 = arith.divf %div3A_59, %max3A_58 : vector<1x3136xf32>
    %mul3A_61 = vector.broadcast %div3A_60 : vector<1x3136xf32> to vector<48x3136xf32>
    %mul3A_62 = arith.mulf %slice3A_51, %mul3A_61 : vector<48x3136xf32>
    %mul3A_63 = arith.mulf %slice3A_53, %slice3A_53 : vector<64x48xf32>
    %reduce_sum3A_64 = arith.constant dense<0.000000e+00> : vector<64xf32>
    %reduce_sum3A_65 = vector.multi_reduction <add>, %mul3A_63, %reduce_sum3A_64 [1] : vector<64x48xf32> to vector<64xf32>
    %broadcast_in_dim3A_66 = vector.shape_cast %reduce_sum3A_65 : vector<64xf32> to vector<64x1xf32>
    %sqrt3A_67 = math.sqrt %broadcast_in_dim3A_66 : vector<64x1xf32>
    %max3A_68 = arith.constant 9.99999996E-13 : f32
    %max3A_69 = vector.broadcast %max3A_68 : f32 to vector<64x1xf32>
    %max3A_70 = arith.maximumf %sqrt3A_67, %max3A_69 : vector<64x1xf32>
    %div3A_71 = arith.constant 1.000000e+00 : f32
    %div3A_72 = vector.broadcast %div3A_71 : f32 to vector<64x1xf32>
    %div3A_73 = arith.divf %div3A_72, %max3A_70 : vector<64x1xf32>
    %mul3A_74 = vector.broadcast %div3A_73 : vector<64x1xf32> to vector<64x48xf32>
    %mul3A_75 = arith.mulf %slice3A_53, %mul3A_74 : vector<64x48xf32>
    %convert_element_type3A_76 = arith.truncf %mul3A_75 : vector<64x48xf32> to vector<64x48xbf16>
    %convert_element_type3A_77 = arith.truncf %mul3A_62 : vector<48x3136xf32> to vector<48x3136xbf16>
    %dot_general3A_78 = arith.constant dense<0.000000e+00> : vector<64x3136xf32>
    %dot_general3A_79 = tpu.matmul %convert_element_type3A_76, %convert_element_type3A_77, %dot_general3A_78 {dimension_numbers = #tpu.dot_dimension_numbers<[1], [0], [0], [1], [0, 0, 1, 1], [], []>, transpose_lhs_hint = false} : vector<64x48xbf16>, vector<48x3136xbf16>, vector<64x3136xf32> -> vector<64x3136xf32>
    %reduce_max3A = arith.constant dense<0xFF800000> : vector<3136xf32>
    %reduce_max3A_80 = vector.multi_reduction <maximumf>, %dot_general3A_79, %reduce_max3A [0] : vector<64x3136xf32> to vector<3136xf32>
    %broadcast_in_dim3A_81 = vector.shape_cast %reduce_max3A_80 : vector<3136xf32> to vector<1x3136xf32>
    %mul3A_82 = vector.broadcast %get3A_47 : f32 to vector<1x3136xf32>
    %mul3A_83 = arith.mulf %mul3A_82, %broadcast_in_dim3A_81 : vector<1x3136xf32>
    %add3A_84 = vector.broadcast %get3A_50 : f32 to vector<1x3136xf32>
    %add3A_85 = arith.addf %mul3A_83, %add3A_84 : vector<1x3136xf32>
    %logistic3A = arith.negf %add3A_85 : vector<1x3136xf32>
    %logistic3A_86 = math.exp %logistic3A : vector<1x3136xf32>
    %logistic3A_87 = arith.constant 1.000000e+00 : f32
    %logistic3A_88 = vector.broadcast %logistic3A_87 : f32 to vector<1x3136xf32>
    %logistic3A_89 = arith.addf %logistic3A_88, %logistic3A_86 : vector<1x3136xf32>
    %logistic3A_90 = arith.divf %logistic3A_88, %logistic3A_89 : vector<1x3136xf32>
    %eq3A = vector.broadcast %broadcast_in_dim3A_81 : vector<1x3136xf32> to vector<64x3136xf32>
    %eq3A_91 = arith.cmpf oeq, %dot_general3A_79, %eq3A : vector<64x3136xf32>
    %jit3A = arith.constant 0.000000e+00 : f32
    %broadcast_in_dim3A_92 = vector.shape_cast %logistic3A_90 : vector<1x3136xf32> to vector<1x3136xf32>
    %broadcast_in_dim3A_93 = vector.broadcast %broadcast_in_dim3A_92 : vector<1x3136xf32> to vector<64x3136xf32>
    %broadcast_in_dim3A_94 = vector.broadcast %jit3A : f32 to vector<64x3136xf32>
    %select_n3A = arith.select %eq3A_91, %broadcast_in_dim3A_93, %broadcast_in_dim3A_94 : vector<64x3136xi1>, vector<64x3136xf32>
    %reduce_sum3A_95 = arith.constant dense<0.000000e+00> : vector<64xf32>
    %reduce_sum3A_96 = vector.multi_reduction <add>, %select_n3A, %reduce_sum3A_95 [1] : vector<64x3136xf32> to vector<64xf32>
    %broadcast_in_dim3A_97 = vector.shape_cast %reduce_sum3A_96 : vector<64xf32> to vector<64x1xf32>
    %add3A_98 = arith.constant 1.000000e+00 : f32
    %add3A_99 = vector.broadcast %add3A_98 : f32 to vector<64x1xf32>
    %add3A_100 = arith.addf %broadcast_in_dim3A_97, %add3A_99 : vector<64x1xf32>
    %convert_element_type3A_101 = arith.truncf %select_n3A : vector<64x3136xf32> to vector<64x3136xbf16>
    %dot_general3A_102 = arith.constant dense<0.000000e+00> : vector<64x48xf32>
    %dot_general3A_103 = tpu.matmul %convert_element_type3A_101, %slice3A_52, %dot_general3A_102 {dimension_numbers = #tpu.dot_dimension_numbers<[1], [1], [0], [0], [0, 0, 1, 0], [], []>, transpose_lhs_hint = false} : vector<64x3136xbf16>, vector<48x3136xbf16>, vector<64x48xf32> -> vector<64x48xf32>
    %add3A_104 = arith.addf %dot_general3A_103, %slice3A_54 : vector<64x48xf32>
    %div3A_105 = vector.broadcast %add3A_100 : vector<64x1xf32> to vector<64x48xf32>
    %div3A_106 = arith.divf %add3A_104, %div3A_105 : vector<64x48xf32>
    %convert_element_type3A_107 = arith.truncf %div3A_106 : vector<64x48xf32> to vector<64x48xbf16>
    %dot_general3A_108 = arith.constant dense<0.000000e+00> : vector<48x3136xf32>
    %dot_general3A_109 = tpu.matmul %convert_element_type3A_107, %convert_element_type3A_101, %dot_general3A_108 {dimension_numbers = #tpu.dot_dimension_numbers<[0], [0], [1], [1], [0, 1, 1, 1], [], []>, transpose_lhs_hint = false} : vector<64x48xbf16>, vector<64x3136xbf16>, vector<48x3136xf32> -> vector<48x3136xf32>
    %convert_element_type3A_110 = arith.truncf %dot_general3A_109 : vector<48x3136xf32> to vector<48x3136xbf16>
    %slice3A_111 = vector.extract_strided_slice %add3A_16 {offsets = [48, 0], sizes = [48, 3136], strides = [1, 1]} : vector<384x3136xf32> to vector<48x3136xf32>
    %slice3A_112 = vector.extract_strided_slice %convert_element_type3A {offsets = [48, 0], sizes = [48, 3136], strides = [1, 1]} : vector<384x3136xbf16> to vector<48x3136xbf16>
    %slice3A_113 = vector.extract_strided_slice %mul3A_40 {offsets = [0, 48], sizes = [64, 48], strides = [1, 1]} : vector<64x384xf32> to vector<64x48xf32>
    %slice3A_114 = vector.extract_strided_slice %mul3A_44 {offsets = [0, 48], sizes = [64, 48], strides = [1, 1]} : vector<64x384xf32> to vector<64x48xf32>
    %mul3A_115 = arith.mulf %slice3A_111, %slice3A_111 : vector<48x3136xf32>
    %reduce_sum3A_116 = arith.constant dense<0.000000e+00> : vector<3136xf32>
    %reduce_sum3A_117 = vector.multi_reduction <add>, %mul3A_115, %reduce_sum3A_116 [0] : vector<48x3136xf32> to vector<3136xf32>
    %broadcast_in_dim3A_118 = vector.shape_cast %reduce_sum3A_117 : vector<3136xf32> to vector<1x3136xf32>
    %sqrt3A_119 = math.sqrt %broadcast_in_dim3A_118 : vector<1x3136xf32>
    %max3A_120 = arith.constant 9.99999996E-13 : f32
    %max3A_121 = vector.broadcast %max3A_120 : f32 to vector<1x3136xf32>
    %max3A_122 = arith.maximumf %sqrt3A_119, %max3A_121 : vector<1x3136xf32>
    %div3A_123 = arith.constant 1.000000e+00 : f32
    %div3A_124 = vector.broadcast %div3A_123 : f32 to vector<1x3136xf32>
    %div3A_125 = arith.divf %div3A_124, %max3A_122 : vector<1x3136xf32>
    %mul3A_126 = vector.broadcast %div3A_125 : vector<1x3136xf32> to vector<48x3136xf32>
    %mul3A_127 = arith.mulf %slice3A_111, %mul3A_126 : vector<48x3136xf32>
    %mul3A_128 = arith.mulf %slice3A_113, %slice3A_113 : vector<64x48xf32>
    %reduce_sum3A_129 = arith.constant dense<0.000000e+00> : vector<64xf32>
    %reduce_sum3A_130 = vector.multi_reduction <add>, %mul3A_128, %reduce_sum3A_129 [1] : vector<64x48xf32> to vector<64xf32>
    %broadcast_in_dim3A_131 = vector.shape_cast %reduce_sum3A_130 : vector<64xf32> to vector<64x1xf32>
    %sqrt3A_132 = math.sqrt %broadcast_in_dim3A_131 : vector<64x1xf32>
    %max3A_133 = arith.constant 9.99999996E-13 : f32
    %max3A_134 = vector.broadcast %max3A_133 : f32 to vector<64x1xf32>
    %max3A_135 = arith.maximumf %sqrt3A_132, %max3A_134 : vector<64x1xf32>
    %div3A_136 = arith.constant 1.000000e+00 : f32
    %div3A_137 = vector.broadcast %div3A_136 : f32 to vector<64x1xf32>
    %div3A_138 = arith.divf %div3A_137, %max3A_135 : vector<64x1xf32>
    %mul3A_139 = vector.broadcast %div3A_138 : vector<64x1xf32> to vector<64x48xf32>
    %mul3A_140 = arith.mulf %slice3A_113, %mul3A_139 : vector<64x48xf32>
    %convert_element_type3A_141 = arith.truncf %mul3A_140 : vector<64x48xf32> to vector<64x48xbf16>
    %convert_element_type3A_142 = arith.truncf %mul3A_127 : vector<48x3136xf32> to vector<48x3136xbf16>
    %dot_general3A_143 = arith.constant dense<0.000000e+00> : vector<64x3136xf32>
    %dot_general3A_144 = tpu.matmul %convert_element_type3A_141, %convert_element_type3A_142, %dot_general3A_143 {dimension_numbers = #tpu.dot_dimension_numbers<[1], [0], [0], [1], [0, 0, 1, 1], [], []>, transpose_lhs_hint = false} : vector<64x48xbf16>, vector<48x3136xbf16>, vector<64x3136xf32> -> vector<64x3136xf32>
    %reduce_max3A_145 = arith.constant dense<0xFF800000> : vector<3136xf32>
    %reduce_max3A_146 = vector.multi_reduction <maximumf>, %dot_general3A_144, %reduce_max3A_145 [0] : vector<64x3136xf32> to vector<3136xf32>
    %broadcast_in_dim3A_147 = vector.shape_cast %reduce_max3A_146 : vector<3136xf32> to vector<1x3136xf32>
    %mul3A_148 = vector.broadcast %get3A_47 : f32 to vector<1x3136xf32>
    %mul3A_149 = arith.mulf %mul3A_148, %broadcast_in_dim3A_147 : vector<1x3136xf32>
    %add3A_150 = vector.broadcast %get3A_50 : f32 to vector<1x3136xf32>
    %add3A_151 = arith.addf %mul3A_149, %add3A_150 : vector<1x3136xf32>
    %logistic3A_152 = arith.negf %add3A_151 : vector<1x3136xf32>
    %logistic3A_153 = math.exp %logistic3A_152 : vector<1x3136xf32>
    %logistic3A_154 = arith.constant 1.000000e+00 : f32
    %logistic3A_155 = vector.broadcast %logistic3A_154 : f32 to vector<1x3136xf32>
    %logistic3A_156 = arith.addf %logistic3A_155, %logistic3A_153 : vector<1x3136xf32>
    %logistic3A_157 = arith.divf %logistic3A_155, %logistic3A_156 : vector<1x3136xf32>
    %eq3A_158 = vector.broadcast %broadcast_in_dim3A_147 : vector<1x3136xf32> to vector<64x3136xf32>
    %eq3A_159 = arith.cmpf oeq, %dot_general3A_144, %eq3A_158 : vector<64x3136xf32>
    %jit3A_160 = arith.constant 0.000000e+00 : f32
    %broadcast_in_dim3A_161 = vector.shape_cast %logistic3A_157 : vector<1x3136xf32> to vector<1x3136xf32>
    %broadcast_in_dim3A_162 = vector.broadcast %broadcast_in_dim3A_161 : vector<1x3136xf32> to vector<64x3136xf32>
    %broadcast_in_dim3A_163 = vector.broadcast %jit3A_160 : f32 to vector<64x3136xf32>
    %select_n3A_164 = arith.select %eq3A_159, %broadcast_in_dim3A_162, %broadcast_in_dim3A_163 : vector<64x3136xi1>, vector<64x3136xf32>
    %reduce_sum3A_165 = arith.constant dense<0.000000e+00> : vector<64xf32>
    %reduce_sum3A_166 = vector.multi_reduction <add>, %select_n3A_164, %reduce_sum3A_165 [1] : vector<64x3136xf32> to vector<64xf32>
    %broadcast_in_dim3A_167 = vector.shape_cast %reduce_sum3A_166 : vector<64xf32> to vector<64x1xf32>
    %add3A_168 = arith.constant 1.000000e+00 : f32
    %add3A_169 = vector.broadcast %add3A_168 : f32 to vector<64x1xf32>
    %add3A_170 = arith.addf %broadcast_in_dim3A_167, %add3A_169 : vector<64x1xf32>
    %convert_element_type3A_171 = arith.truncf %select_n3A_164 : vector<64x3136xf32> to vector<64x3136xbf16>
    %dot_general3A_172 = arith.constant dense<0.000000e+00> : vector<64x48xf32>
    %dot_general3A_173 = tpu.matmul %convert_element_type3A_171, %slice3A_112, %dot_general3A_172 {dimension_numbers = #tpu.dot_dimension_numbers<[1], [1], [0], [0], [0, 0, 1, 0], [], []>, transpose_lhs_hint = false} : vector<64x3136xbf16>, vector<48x3136xbf16>, vector<64x48xf32> -> vector<64x48xf32>
    %add3A_174 = arith.addf %dot_general3A_173, %slice3A_114 : vector<64x48xf32>
    %div3A_175 = vector.broadcast %add3A_170 : vector<64x1xf32> to vector<64x48xf32>
    %div3A_176 = arith.divf %add3A_174, %div3A_175 : vector<64x48xf32>
    %convert_element_type3A_177 = arith.truncf %div3A_176 : vector<64x48xf32> to vector<64x48xbf16>
    %dot_general3A_178 = arith.constant dense<0.000000e+00> : vector<48x3136xf32>
    %dot_general3A_179 = tpu.matmul %convert_element_type3A_177, %convert_element_type3A_171, %dot_general3A_178 {dimension_numbers = #tpu.dot_dimension_numbers<[0], [0], [1], [1], [0, 1, 1, 1], [], []>, transpose_lhs_hint = false} : vector<64x48xbf16>, vector<64x3136xbf16>, vector<48x3136xf32> -> vector<48x3136xf32>
    %convert_element_type3A_180 = arith.truncf %dot_general3A_179 : vector<48x3136xf32> to vector<48x3136xbf16>
    %slice3A_181 = vector.extract_strided_slice %add3A_16 {offsets = [96, 0], sizes = [48, 3136], strides = [1, 1]} : vector<384x3136xf32> to vector<48x3136xf32>
    %slice3A_182 = vector.extract_strided_slice %convert_element_type3A {offsets = [96, 0], sizes = [48, 3136], strides = [1, 1]} : vector<384x3136xbf16> to vector<48x3136xbf16>
    %slice3A_183 = vector.extract_strided_slice %mul3A_40 {offsets = [0, 96], sizes = [64, 48], strides = [1, 1]} : vector<64x384xf32> to vector<64x48xf32>
    %slice3A_184 = vector.extract_strided_slice %mul3A_44 {offsets = [0, 96], sizes = [64, 48], strides = [1, 1]} : vector<64x384xf32> to vector<64x48xf32>
    %mul3A_185 = arith.mulf %slice3A_181, %slice3A_181 : vector<48x3136xf32>
    %reduce_sum3A_186 = arith.constant dense<0.000000e+00> : vector<3136xf32>
    %reduce_sum3A_187 = vector.multi_reduction <add>, %mul3A_185, %reduce_sum3A_186 [0] : vector<48x3136xf32> to vector<3136xf32>
    %broadcast_in_dim3A_188 = vector.shape_cast %reduce_sum3A_187 : vector<3136xf32> to vector<1x3136xf32>
    %sqrt3A_189 = math.sqrt %broadcast_in_dim3A_188 : vector<1x3136xf32>
    %max3A_190 = arith.constant 9.99999996E-13 : f32
    %max3A_191 = vector.broadcast %max3A_190 : f32 to vector<1x3136xf32>
    %max3A_192 = arith.maximumf %sqrt3A_189, %max3A_191 : vector<1x3136xf32>
    %div3A_193 = arith.constant 1.000000e+00 : f32
    %div3A_194 = vector.broadcast %div3A_193 : f32 to vector<1x3136xf32>
    %div3A_195 = arith.divf %div3A_194, %max3A_192 : vector<1x3136xf32>
    %mul3A_196 = vector.broadcast %div3A_195 : vector<1x3136xf32> to vector<48x3136xf32>
    %mul3A_197 = arith.mulf %slice3A_181, %mul3A_196 : vector<48x3136xf32>
    %mul3A_198 = arith.mulf %slice3A_183, %slice3A_183 : vector<64x48xf32>
    %reduce_sum3A_199 = arith.constant dense<0.000000e+00> : vector<64xf32>
    %reduce_sum3A_200 = vector.multi_reduction <add>, %mul3A_198, %reduce_sum3A_199 [1] : vector<64x48xf32> to vector<64xf32>
    %broadcast_in_dim3A_201 = vector.shape_cast %reduce_sum3A_200 : vector<64xf32> to vector<64x1xf32>
    %sqrt3A_202 = math.sqrt %broadcast_in_dim3A_201 : vector<64x1xf32>
    %max3A_203 = arith.constant 9.99999996E-13 : f32
    %max3A_204 = vector.broadcast %max3A_203 : f32 to vector<64x1xf32>
    %max3A_205 = arith.maximumf %sqrt3A_202, %max3A_204 : vector<64x1xf32>
    %div3A_206 = arith.constant 1.000000e+00 : f32
    %div3A_207 = vector.broadcast %div3A_206 : f32 to vector<64x1xf32>
    %div3A_208 = arith.divf %div3A_207, %max3A_205 : vector<64x1xf32>
    %mul3A_209 = vector.broadcast %div3A_208 : vector<64x1xf32> to vector<64x48xf32>
    %mul3A_210 = arith.mulf %slice3A_183, %mul3A_209 : vector<64x48xf32>
    %convert_element_type3A_211 = arith.truncf %mul3A_210 : vector<64x48xf32> to vector<64x48xbf16>
    %convert_element_type3A_212 = arith.truncf %mul3A_197 : vector<48x3136xf32> to vector<48x3136xbf16>
    %dot_general3A_213 = arith.constant dense<0.000000e+00> : vector<64x3136xf32>
    %dot_general3A_214 = tpu.matmul %convert_element_type3A_211, %convert_element_type3A_212, %dot_general3A_213 {dimension_numbers = #tpu.dot_dimension_numbers<[1], [0], [0], [1], [0, 0, 1, 1], [], []>, transpose_lhs_hint = false} : vector<64x48xbf16>, vector<48x3136xbf16>, vector<64x3136xf32> -> vector<64x3136xf32>
    %reduce_max3A_215 = arith.constant dense<0xFF800000> : vector<3136xf32>
    %reduce_max3A_216 = vector.multi_reduction <maximumf>, %dot_general3A_214, %reduce_max3A_215 [0] : vector<64x3136xf32> to vector<3136xf32>
    %broadcast_in_dim3A_217 = vector.shape_cast %reduce_max3A_216 : vector<3136xf32> to vector<1x3136xf32>
    %mul3A_218 = vector.broadcast %get3A_47 : f32 to vector<1x3136xf32>
    %mul3A_219 = arith.mulf %mul3A_218, %broadcast_in_dim3A_217 : vector<1x3136xf32>
    %add3A_220 = vector.broadcast %get3A_50 : f32 to vector<1x3136xf32>
    %add3A_221 = arith.addf %mul3A_219, %add3A_220 : vector<1x3136xf32>
    %logistic3A_222 = arith.negf %add3A_221 : vector<1x3136xf32>
    %logistic3A_223 = math.exp %logistic3A_222 : vector<1x3136xf32>
    %logistic3A_224 = arith.constant 1.000000e+00 : f32
    %logistic3A_225 = vector.broadcast %logistic3A_224 : f32 to vector<1x3136xf32>
    %logistic3A_226 = arith.addf %logistic3A_225, %logistic3A_223 : vector<1x3136xf32>
    %logistic3A_227 = arith.divf %logistic3A_225, %logistic3A_226 : vector<1x3136xf32>
    %eq3A_228 = vector.broadcast %broadcast_in_dim3A_217 : vector<1x3136xf32> to vector<64x3136xf32>
    %eq3A_229 = arith.cmpf oeq, %dot_general3A_214, %eq3A_228 : vector<64x3136xf32>
    %jit3A_230 = arith.constant 0.000000e+00 : f32
    %broadcast_in_dim3A_231 = vector.shape_cast %logistic3A_227 : vector<1x3136xf32> to vector<1x3136xf32>
    %broadcast_in_dim3A_232 = vector.broadcast %broadcast_in_dim3A_231 : vector<1x3136xf32> to vector<64x3136xf32>
    %broadcast_in_dim3A_233 = vector.broadcast %jit3A_230 : f32 to vector<64x3136xf32>
    %select_n3A_234 = arith.select %eq3A_229, %broadcast_in_dim3A_232, %broadcast_in_dim3A_233 : vector<64x3136xi1>, vector<64x3136xf32>
    %reduce_sum3A_235 = arith.constant dense<0.000000e+00> : vector<64xf32>
    %reduce_sum3A_236 = vector.multi_reduction <add>, %select_n3A_234, %reduce_sum3A_235 [1] : vector<64x3136xf32> to vector<64xf32>
    %broadcast_in_dim3A_237 = vector.shape_cast %reduce_sum3A_236 : vector<64xf32> to vector<64x1xf32>
    %add3A_238 = arith.constant 1.000000e+00 : f32
    %add3A_239 = vector.broadcast %add3A_238 : f32 to vector<64x1xf32>
    %add3A_240 = arith.addf %broadcast_in_dim3A_237, %add3A_239 : vector<64x1xf32>
    %convert_element_type3A_241 = arith.truncf %select_n3A_234 : vector<64x3136xf32> to vector<64x3136xbf16>
    %dot_general3A_242 = arith.constant dense<0.000000e+00> : vector<64x48xf32>
    %dot_general3A_243 = tpu.matmul %convert_element_type3A_241, %slice3A_182, %dot_general3A_242 {dimension_numbers = #tpu.dot_dimension_numbers<[1], [1], [0], [0], [0, 0, 1, 0], [], []>, transpose_lhs_hint = false} : vector<64x3136xbf16>, vector<48x3136xbf16>, vector<64x48xf32> -> vector<64x48xf32>
    %add3A_244 = arith.addf %dot_general3A_243, %slice3A_184 : vector<64x48xf32>
    %div3A_245 = vector.broadcast %add3A_240 : vector<64x1xf32> to vector<64x48xf32>
    %div3A_246 = arith.divf %add3A_244, %div3A_245 : vector<64x48xf32>
    %convert_element_type3A_247 = arith.truncf %div3A_246 : vector<64x48xf32> to vector<64x48xbf16>
    %dot_general3A_248 = arith.constant dense<0.000000e+00> : vector<48x3136xf32>
    %dot_general3A_249 = tpu.matmul %convert_element_type3A_247, %convert_element_type3A_241, %dot_general3A_248 {dimension_numbers = #tpu.dot_dimension_numbers<[0], [0], [1], [1], [0, 1, 1, 1], [], []>, transpose_lhs_hint = false} : vector<64x48xbf16>, vector<64x3136xbf16>, vector<48x3136xf32> -> vector<48x3136xf32>
    %convert_element_type3A_250 = arith.truncf %dot_general3A_249 : vector<48x3136xf32> to vector<48x3136xbf16>
    %slice3A_251 = vector.extract_strided_slice %add3A_16 {offsets = [144, 0], sizes = [48, 3136], strides = [1, 1]} : vector<384x3136xf32> to vector<48x3136xf32>
    %slice3A_252 = vector.extract_strided_slice %convert_element_type3A {offsets = [144, 0], sizes = [48, 3136], strides = [1, 1]} : vector<384x3136xbf16> to vector<48x3136xbf16>
    %slice3A_253 = vector.extract_strided_slice %mul3A_40 {offsets = [0, 144], sizes = [64, 48], strides = [1, 1]} : vector<64x384xf32> to vector<64x48xf32>
    %slice3A_254 = vector.extract_strided_slice %mul3A_44 {offsets = [0, 144], sizes = [64, 48], strides = [1, 1]} : vector<64x384xf32> to vector<64x48xf32>
    %mul3A_255 = arith.mulf %slice3A_251, %slice3A_251 : vector<48x3136xf32>
    %reduce_sum3A_256 = arith.constant dense<0.000000e+00> : vector<3136xf32>
    %reduce_sum3A_257 = vector.multi_reduction <add>, %mul3A_255, %reduce_sum3A_256 [0] : vector<48x3136xf32> to vector<3136xf32>
    %broadcast_in_dim3A_258 = vector.shape_cast %reduce_sum3A_257 : vector<3136xf32> to vector<1x3136xf32>
    %sqrt3A_259 = math.sqrt %broadcast_in_dim3A_258 : vector<1x3136xf32>
    %max3A_260 = arith.constant 9.99999996E-13 : f32
    %max3A_261 = vector.broadcast %max3A_260 : f32 to vector<1x3136xf32>
    %max3A_262 = arith.maximumf %sqrt3A_259, %max3A_261 : vector<1x3136xf32>
    %div3A_263 = arith.constant 1.000000e+00 : f32
    %div3A_264 = vector.broadcast %div3A_263 : f32 to vector<1x3136xf32>
    %div3A_265 = arith.divf %div3A_264, %max3A_262 : vector<1x3136xf32>
    %mul3A_266 = vector.broadcast %div3A_265 : vector<1x3136xf32> to vector<48x3136xf32>
    %mul3A_267 = arith.mulf %slice3A_251, %mul3A_266 : vector<48x3136xf32>
    %mul3A_268 = arith.mulf %slice3A_253, %slice3A_253 : vector<64x48xf32>
    %reduce_sum3A_269 = arith.constant dense<0.000000e+00> : vector<64xf32>
    %reduce_sum3A_270 = vector.multi_reduction <add>, %mul3A_268, %reduce_sum3A_269 [1] : vector<64x48xf32> to vector<64xf32>
    %broadcast_in_dim3A_271 = vector.shape_cast %reduce_sum3A_270 : vector<64xf32> to vector<64x1xf32>
    %sqrt3A_272 = math.sqrt %broadcast_in_dim3A_271 : vector<64x1xf32>
    %max3A_273 = arith.constant 9.99999996E-13 : f32
    %max3A_274 = vector.broadcast %max3A_273 : f32 to vector<64x1xf32>
    %max3A_275 = arith.maximumf %sqrt3A_272, %max3A_274 : vector<64x1xf32>
    %div3A_276 = arith.constant 1.000000e+00 : f32
    %div3A_277 = vector.broadcast %div3A_276 : f32 to vector<64x1xf32>
    %div3A_278 = arith.divf %div3A_277, %max3A_275 : vector<64x1xf32>
    %mul3A_279 = vector.broadcast %div3A_278 : vector<64x1xf32> to vector<64x48xf32>
    %mul3A_280 = arith.mulf %slice3A_253, %mul3A_279 : vector<64x48xf32>
    %convert_element_type3A_281 = arith.truncf %mul3A_280 : vector<64x48xf32> to vector<64x48xbf16>
    %convert_element_type3A_282 = arith.truncf %mul3A_267 : vector<48x3136xf32> to vector<48x3136xbf16>
    %dot_general3A_283 = arith.constant dense<0.000000e+00> : vector<64x3136xf32>
    %dot_general3A_284 = tpu.matmul %convert_element_type3A_281, %convert_element_type3A_282, %dot_general3A_283 {dimension_numbers = #tpu.dot_dimension_numbers<[1], [0], [0], [1], [0, 0, 1, 1], [], []>, transpose_lhs_hint = false} : vector<64x48xbf16>, vector<48x3136xbf16>, vector<64x3136xf32> -> vector<64x3136xf32>
    %reduce_max3A_285 = arith.constant dense<0xFF800000> : vector<3136xf32>
    %reduce_max3A_286 = vector.multi_reduction <maximumf>, %dot_general3A_284, %reduce_max3A_285 [0] : vector<64x3136xf32> to vector<3136xf32>
    %broadcast_in_dim3A_287 = vector.shape_cast %reduce_max3A_286 : vector<3136xf32> to vector<1x3136xf32>
    %mul3A_288 = vector.broadcast %get3A_47 : f32 to vector<1x3136xf32>
    %mul3A_289 = arith.mulf %mul3A_288, %broadcast_in_dim3A_287 : vector<1x3136xf32>
    %add3A_290 = vector.broadcast %get3A_50 : f32 to vector<1x3136xf32>
    %add3A_291 = arith.addf %mul3A_289, %add3A_290 : vector<1x3136xf32>
    %logistic3A_292 = arith.negf %add3A_291 : vector<1x3136xf32>
    %logistic3A_293 = math.exp %logistic3A_292 : vector<1x3136xf32>
    %logistic3A_294 = arith.constant 1.000000e+00 : f32
    %logistic3A_295 = vector.broadcast %logistic3A_294 : f32 to vector<1x3136xf32>
    %logistic3A_296 = arith.addf %logistic3A_295, %logistic3A_293 : vector<1x3136xf32>
    %logistic3A_297 = arith.divf %logistic3A_295, %logistic3A_296 : vector<1x3136xf32>
    %eq3A_298 = vector.broadcast %broadcast_in_dim3A_287 : vector<1x3136xf32> to vector<64x3136xf32>
    %eq3A_299 = arith.cmpf oeq, %dot_general3A_284, %eq3A_298 : vector<64x3136xf32>
    %jit3A_300 = arith.constant 0.000000e+00 : f32
    %broadcast_in_dim3A_301 = vector.shape_cast %logistic3A_297 : vector<1x3136xf32> to vector<1x3136xf32>
    %broadcast_in_dim3A_302 = vector.broadcast %broadcast_in_dim3A_301 : vector<1x3136xf32> to vector<64x3136xf32>
    %broadcast_in_dim3A_303 = vector.broadcast %jit3A_300 : f32 to vector<64x3136xf32>
    %select_n3A_304 = arith.select %eq3A_299, %broadcast_in_dim3A_302, %broadcast_in_dim3A_303 : vector<64x3136xi1>, vector<64x3136xf32>
    %reduce_sum3A_305 = arith.constant dense<0.000000e+00> : vector<64xf32>
    %reduce_sum3A_306 = vector.multi_reduction <add>, %select_n3A_304, %reduce_sum3A_305 [1] : vector<64x3136xf32> to vector<64xf32>
    %broadcast_in_dim3A_307 = vector.shape_cast %reduce_sum3A_306 : vector<64xf32> to vector<64x1xf32>
    %add3A_308 = arith.constant 1.000000e+00 : f32
    %add3A_309 = vector.broadcast %add3A_308 : f32 to vector<64x1xf32>
    %add3A_310 = arith.addf %broadcast_in_dim3A_307, %add3A_309 : vector<64x1xf32>
    %convert_element_type3A_311 = arith.truncf %select_n3A_304 : vector<64x3136xf32> to vector<64x3136xbf16>
    %dot_general3A_312 = arith.constant dense<0.000000e+00> : vector<64x48xf32>
    %dot_general3A_313 = tpu.matmul %convert_element_type3A_311, %slice3A_252, %dot_general3A_312 {dimension_numbers = #tpu.dot_dimension_numbers<[1], [1], [0], [0], [0, 0, 1, 0], [], []>, transpose_lhs_hint = false} : vector<64x3136xbf16>, vector<48x3136xbf16>, vector<64x48xf32> -> vector<64x48xf32>
    %add3A_314 = arith.addf %dot_general3A_313, %slice3A_254 : vector<64x48xf32>
    %div3A_315 = vector.broadcast %add3A_310 : vector<64x1xf32> to vector<64x48xf32>
    %div3A_316 = arith.divf %add3A_314, %div3A_315 : vector<64x48xf32>
    %convert_element_type3A_317 = arith.truncf %div3A_316 : vector<64x48xf32> to vector<64x48xbf16>
    %dot_general3A_318 = arith.constant dense<0.000000e+00> : vector<48x3136xf32>
    %dot_general3A_319 = tpu.matmul %convert_element_type3A_317, %convert_element_type3A_311, %dot_general3A_318 {dimension_numbers = #tpu.dot_dimension_numbers<[0], [0], [1], [1], [0, 1, 1, 1], [], []>, transpose_lhs_hint = false} : vector<64x48xbf16>, vector<64x3136xbf16>, vector<48x3136xf32> -> vector<48x3136xf32>
    %convert_element_type3A_320 = arith.truncf %dot_general3A_319 : vector<48x3136xf32> to vector<48x3136xbf16>
    %slice3A_321 = vector.extract_strided_slice %add3A_16 {offsets = [192, 0], sizes = [48, 3136], strides = [1, 1]} : vector<384x3136xf32> to vector<48x3136xf32>
    %slice3A_322 = vector.extract_strided_slice %convert_element_type3A {offsets = [192, 0], sizes = [48, 3136], strides = [1, 1]} : vector<384x3136xbf16> to vector<48x3136xbf16>
    %slice3A_323 = vector.extract_strided_slice %mul3A_40 {offsets = [0, 192], sizes = [64, 48], strides = [1, 1]} : vector<64x384xf32> to vector<64x48xf32>
    %slice3A_324 = vector.extract_strided_slice %mul3A_44 {offsets = [0, 192], sizes = [64, 48], strides = [1, 1]} : vector<64x384xf32> to vector<64x48xf32>
    %mul3A_325 = arith.mulf %slice3A_321, %slice3A_321 : vector<48x3136xf32>
    %reduce_sum3A_326 = arith.constant dense<0.000000e+00> : vector<3136xf32>
    %reduce_sum3A_327 = vector.multi_reduction <add>, %mul3A_325, %reduce_sum3A_326 [0] : vector<48x3136xf32> to vector<3136xf32>
    %broadcast_in_dim3A_328 = vector.shape_cast %reduce_sum3A_327 : vector<3136xf32> to vector<1x3136xf32>
    %sqrt3A_329 = math.sqrt %broadcast_in_dim3A_328 : vector<1x3136xf32>
    %max3A_330 = arith.constant 9.99999996E-13 : f32
    %max3A_331 = vector.broadcast %max3A_330 : f32 to vector<1x3136xf32>
    %max3A_332 = arith.maximumf %sqrt3A_329, %max3A_331 : vector<1x3136xf32>
    %div3A_333 = arith.constant 1.000000e+00 : f32
    %div3A_334 = vector.broadcast %div3A_333 : f32 to vector<1x3136xf32>
    %div3A_335 = arith.divf %div3A_334, %max3A_332 : vector<1x3136xf32>
    %mul3A_336 = vector.broadcast %div3A_335 : vector<1x3136xf32> to vector<48x3136xf32>
    %mul3A_337 = arith.mulf %slice3A_321, %mul3A_336 : vector<48x3136xf32>
    %mul3A_338 = arith.mulf %slice3A_323, %slice3A_323 : vector<64x48xf32>
    %reduce_sum3A_339 = arith.constant dense<0.000000e+00> : vector<64xf32>
    %reduce_sum3A_340 = vector.multi_reduction <add>, %mul3A_338, %reduce_sum3A_339 [1] : vector<64x48xf32> to vector<64xf32>
    %broadcast_in_dim3A_341 = vector.shape_cast %reduce_sum3A_340 : vector<64xf32> to vector<64x1xf32>
    %sqrt3A_342 = math.sqrt %broadcast_in_dim3A_341 : vector<64x1xf32>
    %max3A_343 = arith.constant 9.99999996E-13 : f32
    %max3A_344 = vector.broadcast %max3A_343 : f32 to vector<64x1xf32>
    %max3A_345 = arith.maximumf %sqrt3A_342, %max3A_344 : vector<64x1xf32>
    %div3A_346 = arith.constant 1.000000e+00 : f32
    %div3A_347 = vector.broadcast %div3A_346 : f32 to vector<64x1xf32>
    %div3A_348 = arith.divf %div3A_347, %max3A_345 : vector<64x1xf32>
    %mul3A_349 = vector.broadcast %div3A_348 : vector<64x1xf32> to vector<64x48xf32>
    %mul3A_350 = arith.mulf %slice3A_323, %mul3A_349 : vector<64x48xf32>
    %convert_element_type3A_351 = arith.truncf %mul3A_350 : vector<64x48xf32> to vector<64x48xbf16>
    %convert_element_type3A_352 = arith.truncf %mul3A_337 : vector<48x3136xf32> to vector<48x3136xbf16>
    %dot_general3A_353 = arith.constant dense<0.000000e+00> : vector<64x3136xf32>
    %dot_general3A_354 = tpu.matmul %convert_element_type3A_351, %convert_element_type3A_352, %dot_general3A_353 {dimension_numbers = #tpu.dot_dimension_numbers<[1], [0], [0], [1], [0, 0, 1, 1], [], []>, transpose_lhs_hint = false} : vector<64x48xbf16>, vector<48x3136xbf16>, vector<64x3136xf32> -> vector<64x3136xf32>
    %reduce_max3A_355 = arith.constant dense<0xFF800000> : vector<3136xf32>
    %reduce_max3A_356 = vector.multi_reduction <maximumf>, %dot_general3A_354, %reduce_max3A_355 [0] : vector<64x3136xf32> to vector<3136xf32>
    %broadcast_in_dim3A_357 = vector.shape_cast %reduce_max3A_356 : vector<3136xf32> to vector<1x3136xf32>
    %mul3A_358 = vector.broadcast %get3A_47 : f32 to vector<1x3136xf32>
    %mul3A_359 = arith.mulf %mul3A_358, %broadcast_in_dim3A_357 : vector<1x3136xf32>
    %add3A_360 = vector.broadcast %get3A_50 : f32 to vector<1x3136xf32>
    %add3A_361 = arith.addf %mul3A_359, %add3A_360 : vector<1x3136xf32>
    %logistic3A_362 = arith.negf %add3A_361 : vector<1x3136xf32>
    %logistic3A_363 = math.exp %logistic3A_362 : vector<1x3136xf32>
    %logistic3A_364 = arith.constant 1.000000e+00 : f32
    %logistic3A_365 = vector.broadcast %logistic3A_364 : f32 to vector<1x3136xf32>
    %logistic3A_366 = arith.addf %logistic3A_365, %logistic3A_363 : vector<1x3136xf32>
    %logistic3A_367 = arith.divf %logistic3A_365, %logistic3A_366 : vector<1x3136xf32>
    %eq3A_368 = vector.broadcast %broadcast_in_dim3A_357 : vector<1x3136xf32> to vector<64x3136xf32>
    %eq3A_369 = arith.cmpf oeq, %dot_general3A_354, %eq3A_368 : vector<64x3136xf32>
    %jit3A_370 = arith.constant 0.000000e+00 : f32
    %broadcast_in_dim3A_371 = vector.shape_cast %logistic3A_367 : vector<1x3136xf32> to vector<1x3136xf32>
    %broadcast_in_dim3A_372 = vector.broadcast %broadcast_in_dim3A_371 : vector<1x3136xf32> to vector<64x3136xf32>
    %broadcast_in_dim3A_373 = vector.broadcast %jit3A_370 : f32 to vector<64x3136xf32>
    %select_n3A_374 = arith.select %eq3A_369, %broadcast_in_dim3A_372, %broadcast_in_dim3A_373 : vector<64x3136xi1>, vector<64x3136xf32>
    %reduce_sum3A_375 = arith.constant dense<0.000000e+00> : vector<64xf32>
    %reduce_sum3A_376 = vector.multi_reduction <add>, %select_n3A_374, %reduce_sum3A_375 [1] : vector<64x3136xf32> to vector<64xf32>
    %broadcast_in_dim3A_377 = vector.shape_cast %reduce_sum3A_376 : vector<64xf32> to vector<64x1xf32>
    %add3A_378 = arith.constant 1.000000e+00 : f32
    %add3A_379 = vector.broadcast %add3A_378 : f32 to vector<64x1xf32>
    %add3A_380 = arith.addf %broadcast_in_dim3A_377, %add3A_379 : vector<64x1xf32>
    %convert_element_type3A_381 = arith.truncf %select_n3A_374 : vector<64x3136xf32> to vector<64x3136xbf16>
    %dot_general3A_382 = arith.constant dense<0.000000e+00> : vector<64x48xf32>
    %dot_general3A_383 = tpu.matmul %convert_element_type3A_381, %slice3A_322, %dot_general3A_382 {dimension_numbers = #tpu.dot_dimension_numbers<[1], [1], [0], [0], [0, 0, 1, 0], [], []>, transpose_lhs_hint = false} : vector<64x3136xbf16>, vector<48x3136xbf16>, vector<64x48xf32> -> vector<64x48xf32>
    %add3A_384 = arith.addf %dot_general3A_383, %slice3A_324 : vector<64x48xf32>
    %div3A_385 = vector.broadcast %add3A_380 : vector<64x1xf32> to vector<64x48xf32>
    %div3A_386 = arith.divf %add3A_384, %div3A_385 : vector<64x48xf32>
    %convert_element_type3A_387 = arith.truncf %div3A_386 : vector<64x48xf32> to vector<64x48xbf16>
    %dot_general3A_388 = arith.constant dense<0.000000e+00> : vector<48x3136xf32>
    %dot_general3A_389 = tpu.matmul %convert_element_type3A_387, %convert_element_type3A_381, %dot_general3A_388 {dimension_numbers = #tpu.dot_dimension_numbers<[0], [0], [1], [1], [0, 1, 1, 1], [], []>, transpose_lhs_hint = false} : vector<64x48xbf16>, vector<64x3136xbf16>, vector<48x3136xf32> -> vector<48x3136xf32>
    %convert_element_type3A_390 = arith.truncf %dot_general3A_389 : vector<48x3136xf32> to vector<48x3136xbf16>
    %slice3A_391 = vector.extract_strided_slice %add3A_16 {offsets = [240, 0], sizes = [48, 3136], strides = [1, 1]} : vector<384x3136xf32> to vector<48x3136xf32>
    %slice3A_392 = vector.extract_strided_slice %convert_element_type3A {offsets = [240, 0], sizes = [48, 3136], strides = [1, 1]} : vector<384x3136xbf16> to vector<48x3136xbf16>
    %slice3A_393 = vector.extract_strided_slice %mul3A_40 {offsets = [0, 240], sizes = [64, 48], strides = [1, 1]} : vector<64x384xf32> to vector<64x48xf32>
    %slice3A_394 = vector.extract_strided_slice %mul3A_44 {offsets = [0, 240], sizes = [64, 48], strides = [1, 1]} : vector<64x384xf32> to vector<64x48xf32>
    %mul3A_395 = arith.mulf %slice3A_391, %slice3A_391 : vector<48x3136xf32>
    %reduce_sum3A_396 = arith.constant dense<0.000000e+00> : vector<3136xf32>
    %reduce_sum3A_397 = vector.multi_reduction <add>, %mul3A_395, %reduce_sum3A_396 [0] : vector<48x3136xf32> to vector<3136xf32>
    %broadcast_in_dim3A_398 = vector.shape_cast %reduce_sum3A_397 : vector<3136xf32> to vector<1x3136xf32>
    %sqrt3A_399 = math.sqrt %broadcast_in_dim3A_398 : vector<1x3136xf32>
    %max3A_400 = arith.constant 9.99999996E-13 : f32
    %max3A_401 = vector.broadcast %max3A_400 : f32 to vector<1x3136xf32>
    %max3A_402 = arith.maximumf %sqrt3A_399, %max3A_401 : vector<1x3136xf32>
    %div3A_403 = arith.constant 1.000000e+00 : f32
    %div3A_404 = vector.broadcast %div3A_403 : f32 to vector<1x3136xf32>
    %div3A_405 = arith.divf %div3A_404, %max3A_402 : vector<1x3136xf32>
    %mul3A_406 = vector.broadcast %div3A_405 : vector<1x3136xf32> to vector<48x3136xf32>
    %mul3A_407 = arith.mulf %slice3A_391, %mul3A_406 : vector<48x3136xf32>
    %mul3A_408 = arith.mulf %slice3A_393, %slice3A_393 : vector<64x48xf32>
    %reduce_sum3A_409 = arith.constant dense<0.000000e+00> : vector<64xf32>
    %reduce_sum3A_410 = vector.multi_reduction <add>, %mul3A_408, %reduce_sum3A_409 [1] : vector<64x48xf32> to vector<64xf32>
    %broadcast_in_dim3A_411 = vector.shape_cast %reduce_sum3A_410 : vector<64xf32> to vector<64x1xf32>
    %sqrt3A_412 = math.sqrt %broadcast_in_dim3A_411 : vector<64x1xf32>
    %max3A_413 = arith.constant 9.99999996E-13 : f32
    %max3A_414 = vector.broadcast %max3A_413 : f32 to vector<64x1xf32>
    %max3A_415 = arith.maximumf %sqrt3A_412, %max3A_414 : vector<64x1xf32>
    %div3A_416 = arith.constant 1.000000e+00 : f32
    %div3A_417 = vector.broadcast %div3A_416 : f32 to vector<64x1xf32>
    %div3A_418 = arith.divf %div3A_417, %max3A_415 : vector<64x1xf32>
    %mul3A_419 = vector.broadcast %div3A_418 : vector<64x1xf32> to vector<64x48xf32>
    %mul3A_420 = arith.mulf %slice3A_393, %mul3A_419 : vector<64x48xf32>
    %convert_element_type3A_421 = arith.truncf %mul3A_420 : vector<64x48xf32> to vector<64x48xbf16>
    %convert_element_type3A_422 = arith.truncf %mul3A_407 : vector<48x3136xf32> to vector<48x3136xbf16>
    %dot_general3A_423 = arith.constant dense<0.000000e+00> : vector<64x3136xf32>
    %dot_general3A_424 = tpu.matmul %convert_element_type3A_421, %convert_element_type3A_422, %dot_general3A_423 {dimension_numbers = #tpu.dot_dimension_numbers<[1], [0], [0], [1], [0, 0, 1, 1], [], []>, transpose_lhs_hint = false} : vector<64x48xbf16>, vector<48x3136xbf16>, vector<64x3136xf32> -> vector<64x3136xf32>
    %reduce_max3A_425 = arith.constant dense<0xFF800000> : vector<3136xf32>
    %reduce_max3A_426 = vector.multi_reduction <maximumf>, %dot_general3A_424, %reduce_max3A_425 [0] : vector<64x3136xf32> to vector<3136xf32>
    %broadcast_in_dim3A_427 = vector.shape_cast %reduce_max3A_426 : vector<3136xf32> to vector<1x3136xf32>
    %mul3A_428 = vector.broadcast %get3A_47 : f32 to vector<1x3136xf32>
    %mul3A_429 = arith.mulf %mul3A_428, %broadcast_in_dim3A_427 : vector<1x3136xf32>
    %add3A_430 = vector.broadcast %get3A_50 : f32 to vector<1x3136xf32>
    %add3A_431 = arith.addf %mul3A_429, %add3A_430 : vector<1x3136xf32>
    %logistic3A_432 = arith.negf %add3A_431 : vector<1x3136xf32>
    %logistic3A_433 = math.exp %logistic3A_432 : vector<1x3136xf32>
    %logistic3A_434 = arith.constant 1.000000e+00 : f32
    %logistic3A_435 = vector.broadcast %logistic3A_434 : f32 to vector<1x3136xf32>
    %logistic3A_436 = arith.addf %logistic3A_435, %logistic3A_433 : vector<1x3136xf32>
    %logistic3A_437 = arith.divf %logistic3A_435, %logistic3A_436 : vector<1x3136xf32>
    %eq3A_438 = vector.broadcast %broadcast_in_dim3A_427 : vector<1x3136xf32> to vector<64x3136xf32>
    %eq3A_439 = arith.cmpf oeq, %dot_general3A_424, %eq3A_438 : vector<64x3136xf32>
    %jit3A_440 = arith.constant 0.000000e+00 : f32
    %broadcast_in_dim3A_441 = vector.shape_cast %logistic3A_437 : vector<1x3136xf32> to vector<1x3136xf32>
    %broadcast_in_dim3A_442 = vector.broadcast %broadcast_in_dim3A_441 : vector<1x3136xf32> to vector<64x3136xf32>
    %broadcast_in_dim3A_443 = vector.broadcast %jit3A_440 : f32 to vector<64x3136xf32>
    %select_n3A_444 = arith.select %eq3A_439, %broadcast_in_dim3A_442, %broadcast_in_dim3A_443 : vector<64x3136xi1>, vector<64x3136xf32>
    %reduce_sum3A_445 = arith.constant dense<0.000000e+00> : vector<64xf32>
    %reduce_sum3A_446 = vector.multi_reduction <add>, %select_n3A_444, %reduce_sum3A_445 [1] : vector<64x3136xf32> to vector<64xf32>
    %broadcast_in_dim3A_447 = vector.shape_cast %reduce_sum3A_446 : vector<64xf32> to vector<64x1xf32>
    %add3A_448 = arith.constant 1.000000e+00 : f32
    %add3A_449 = vector.broadcast %add3A_448 : f32 to vector<64x1xf32>
    %add3A_450 = arith.addf %broadcast_in_dim3A_447, %add3A_449 : vector<64x1xf32>
    %convert_element_type3A_451 = arith.truncf %select_n3A_444 : vector<64x3136xf32> to vector<64x3136xbf16>
    %dot_general3A_452 = arith.constant dense<0.000000e+00> : vector<64x48xf32>
    %dot_general3A_453 = tpu.matmul %convert_element_type3A_451, %slice3A_392, %dot_general3A_452 {dimension_numbers = #tpu.dot_dimension_numbers<[1], [1], [0], [0], [0, 0, 1, 0], [], []>, transpose_lhs_hint = false} : vector<64x3136xbf16>, vector<48x3136xbf16>, vector<64x48xf32> -> vector<64x48xf32>
    %add3A_454 = arith.addf %dot_general3A_453, %slice3A_394 : vector<64x48xf32>
    %div3A_455 = vector.broadcast %add3A_450 : vector<64x1xf32> to vector<64x48xf32>
    %div3A_456 = arith.divf %add3A_454, %div3A_455 : vector<64x48xf32>
    %convert_element_type3A_457 = arith.truncf %div3A_456 : vector<64x48xf32> to vector<64x48xbf16>
    %dot_general3A_458 = arith.constant dense<0.000000e+00> : vector<48x3136xf32>
    %dot_general3A_459 = tpu.matmul %convert_element_type3A_457, %convert_element_type3A_451, %dot_general3A_458 {dimension_numbers = #tpu.dot_dimension_numbers<[0], [0], [1], [1], [0, 1, 1, 1], [], []>, transpose_lhs_hint = false} : vector<64x48xbf16>, vector<64x3136xbf16>, vector<48x3136xf32> -> vector<48x3136xf32>
    %convert_element_type3A_460 = arith.truncf %dot_general3A_459 : vector<48x3136xf32> to vector<48x3136xbf16>
    %slice3A_461 = vector.extract_strided_slice %add3A_16 {offsets = [288, 0], sizes = [48, 3136], strides = [1, 1]} : vector<384x3136xf32> to vector<48x3136xf32>
    %slice3A_462 = vector.extract_strided_slice %convert_element_type3A {offsets = [288, 0], sizes = [48, 3136], strides = [1, 1]} : vector<384x3136xbf16> to vector<48x3136xbf16>
    %slice3A_463 = vector.extract_strided_slice %mul3A_40 {offsets = [0, 288], sizes = [64, 48], strides = [1, 1]} : vector<64x384xf32> to vector<64x48xf32>
    %slice3A_464 = vector.extract_strided_slice %mul3A_44 {offsets = [0, 288], sizes = [64, 48], strides = [1, 1]} : vector<64x384xf32> to vector<64x48xf32>
    %mul3A_465 = arith.mulf %slice3A_461, %slice3A_461 : vector<48x3136xf32>
    %reduce_sum3A_466 = arith.constant dense<0.000000e+00> : vector<3136xf32>
    %reduce_sum3A_467 = vector.multi_reduction <add>, %mul3A_465, %reduce_sum3A_466 [0] : vector<48x3136xf32> to vector<3136xf32>
    %broadcast_in_dim3A_468 = vector.shape_cast %reduce_sum3A_467 : vector<3136xf32> to vector<1x3136xf32>
    %sqrt3A_469 = math.sqrt %broadcast_in_dim3A_468 : vector<1x3136xf32>
    %max3A_470 = arith.constant 9.99999996E-13 : f32
    %max3A_471 = vector.broadcast %max3A_470 : f32 to vector<1x3136xf32>
    %max3A_472 = arith.maximumf %sqrt3A_469, %max3A_471 : vector<1x3136xf32>
    %div3A_473 = arith.constant 1.000000e+00 : f32
    %div3A_474 = vector.broadcast %div3A_473 : f32 to vector<1x3136xf32>
    %div3A_475 = arith.divf %div3A_474, %max3A_472 : vector<1x3136xf32>
    %mul3A_476 = vector.broadcast %div3A_475 : vector<1x3136xf32> to vector<48x3136xf32>
    %mul3A_477 = arith.mulf %slice3A_461, %mul3A_476 : vector<48x3136xf32>
    %mul3A_478 = arith.mulf %slice3A_463, %slice3A_463 : vector<64x48xf32>
    %reduce_sum3A_479 = arith.constant dense<0.000000e+00> : vector<64xf32>
    %reduce_sum3A_480 = vector.multi_reduction <add>, %mul3A_478, %reduce_sum3A_479 [1] : vector<64x48xf32> to vector<64xf32>
    %broadcast_in_dim3A_481 = vector.shape_cast %reduce_sum3A_480 : vector<64xf32> to vector<64x1xf32>
    %sqrt3A_482 = math.sqrt %broadcast_in_dim3A_481 : vector<64x1xf32>
    %max3A_483 = arith.constant 9.99999996E-13 : f32
    %max3A_484 = vector.broadcast %max3A_483 : f32 to vector<64x1xf32>
    %max3A_485 = arith.maximumf %sqrt3A_482, %max3A_484 : vector<64x1xf32>
    %div3A_486 = arith.constant 1.000000e+00 : f32
    %div3A_487 = vector.broadcast %div3A_486 : f32 to vector<64x1xf32>
    %div3A_488 = arith.divf %div3A_487, %max3A_485 : vector<64x1xf32>
    %mul3A_489 = vector.broadcast %div3A_488 : vector<64x1xf32> to vector<64x48xf32>
    %mul3A_490 = arith.mulf %slice3A_463, %mul3A_489 : vector<64x48xf32>
    %convert_element_type3A_491 = arith.truncf %mul3A_490 : vector<64x48xf32> to vector<64x48xbf16>
    %convert_element_type3A_492 = arith.truncf %mul3A_477 : vector<48x3136xf32> to vector<48x3136xbf16>
    %dot_general3A_493 = arith.constant dense<0.000000e+00> : vector<64x3136xf32>
    %dot_general3A_494 = tpu.matmul %convert_element_type3A_491, %convert_element_type3A_492, %dot_general3A_493 {dimension_numbers = #tpu.dot_dimension_numbers<[1], [0], [0], [1], [0, 0, 1, 1], [], []>, transpose_lhs_hint = false} : vector<64x48xbf16>, vector<48x3136xbf16>, vector<64x3136xf32> -> vector<64x3136xf32>
    %reduce_max3A_495 = arith.constant dense<0xFF800000> : vector<3136xf32>
    %reduce_max3A_496 = vector.multi_reduction <maximumf>, %dot_general3A_494, %reduce_max3A_495 [0] : vector<64x3136xf32> to vector<3136xf32>
    %broadcast_in_dim3A_497 = vector.shape_cast %reduce_max3A_496 : vector<3136xf32> to vector<1x3136xf32>
    %mul3A_498 = vector.broadcast %get3A_47 : f32 to vector<1x3136xf32>
    %mul3A_499 = arith.mulf %mul3A_498, %broadcast_in_dim3A_497 : vector<1x3136xf32>
    %add3A_500 = vector.broadcast %get3A_50 : f32 to vector<1x3136xf32>
    %add3A_501 = arith.addf %mul3A_499, %add3A_500 : vector<1x3136xf32>
    %logistic3A_502 = arith.negf %add3A_501 : vector<1x3136xf32>
    %logistic3A_503 = math.exp %logistic3A_502 : vector<1x3136xf32>
    %logistic3A_504 = arith.constant 1.000000e+00 : f32
    %logistic3A_505 = vector.broadcast %logistic3A_504 : f32 to vector<1x3136xf32>
    %logistic3A_506 = arith.addf %logistic3A_505, %logistic3A_503 : vector<1x3136xf32>
    %logistic3A_507 = arith.divf %logistic3A_505, %logistic3A_506 : vector<1x3136xf32>
    %eq3A_508 = vector.broadcast %broadcast_in_dim3A_497 : vector<1x3136xf32> to vector<64x3136xf32>
    %eq3A_509 = arith.cmpf oeq, %dot_general3A_494, %eq3A_508 : vector<64x3136xf32>
    %jit3A_510 = arith.constant 0.000000e+00 : f32
    %broadcast_in_dim3A_511 = vector.shape_cast %logistic3A_507 : vector<1x3136xf32> to vector<1x3136xf32>
    %broadcast_in_dim3A_512 = vector.broadcast %broadcast_in_dim3A_511 : vector<1x3136xf32> to vector<64x3136xf32>
    %broadcast_in_dim3A_513 = vector.broadcast %jit3A_510 : f32 to vector<64x3136xf32>
    %select_n3A_514 = arith.select %eq3A_509, %broadcast_in_dim3A_512, %broadcast_in_dim3A_513 : vector<64x3136xi1>, vector<64x3136xf32>
    %reduce_sum3A_515 = arith.constant dense<0.000000e+00> : vector<64xf32>
    %reduce_sum3A_516 = vector.multi_reduction <add>, %select_n3A_514, %reduce_sum3A_515 [1] : vector<64x3136xf32> to vector<64xf32>
    %broadcast_in_dim3A_517 = vector.shape_cast %reduce_sum3A_516 : vector<64xf32> to vector<64x1xf32>
    %add3A_518 = arith.constant 1.000000e+00 : f32
    %add3A_519 = vector.broadcast %add3A_518 : f32 to vector<64x1xf32>
    %add3A_520 = arith.addf %broadcast_in_dim3A_517, %add3A_519 : vector<64x1xf32>
    %convert_element_type3A_521 = arith.truncf %select_n3A_514 : vector<64x3136xf32> to vector<64x3136xbf16>
    %dot_general3A_522 = arith.constant dense<0.000000e+00> : vector<64x48xf32>
    %dot_general3A_523 = tpu.matmul %convert_element_type3A_521, %slice3A_462, %dot_general3A_522 {dimension_numbers = #tpu.dot_dimension_numbers<[1], [1], [0], [0], [0, 0, 1, 0], [], []>, transpose_lhs_hint = false} : vector<64x3136xbf16>, vector<48x3136xbf16>, vector<64x48xf32> -> vector<64x48xf32>
    %add3A_524 = arith.addf %dot_general3A_523, %slice3A_464 : vector<64x48xf32>
    %div3A_525 = vector.broadcast %add3A_520 : vector<64x1xf32> to vector<64x48xf32>
    %div3A_526 = arith.divf %add3A_524, %div3A_525 : vector<64x48xf32>
    %convert_element_type3A_527 = arith.truncf %div3A_526 : vector<64x48xf32> to vector<64x48xbf16>
    %dot_general3A_528 = arith.constant dense<0.000000e+00> : vector<48x3136xf32>
    %dot_general3A_529 = tpu.matmul %convert_element_type3A_527, %convert_element_type3A_521, %dot_general3A_528 {dimension_numbers = #tpu.dot_dimension_numbers<[0], [0], [1], [1], [0, 1, 1, 1], [], []>, transpose_lhs_hint = false} : vector<64x48xbf16>, vector<64x3136xbf16>, vector<48x3136xf32> -> vector<48x3136xf32>
    %convert_element_type3A_530 = arith.truncf %dot_general3A_529 : vector<48x3136xf32> to vector<48x3136xbf16>
    %slice3A_531 = vector.extract_strided_slice %add3A_16 {offsets = [336, 0], sizes = [48, 3136], strides = [1, 1]} : vector<384x3136xf32> to vector<48x3136xf32>
    %slice3A_532 = vector.extract_strided_slice %convert_element_type3A {offsets = [336, 0], sizes = [48, 3136], strides = [1, 1]} : vector<384x3136xbf16> to vector<48x3136xbf16>
    %slice3A_533 = vector.extract_strided_slice %mul3A_40 {offsets = [0, 336], sizes = [64, 48], strides = [1, 1]} : vector<64x384xf32> to vector<64x48xf32>
    %slice3A_534 = vector.extract_strided_slice %mul3A_44 {offsets = [0, 336], sizes = [64, 48], strides = [1, 1]} : vector<64x384xf32> to vector<64x48xf32>
    %mul3A_535 = arith.mulf %slice3A_531, %slice3A_531 : vector<48x3136xf32>
    %reduce_sum3A_536 = arith.constant dense<0.000000e+00> : vector<3136xf32>
    %reduce_sum3A_537 = vector.multi_reduction <add>, %mul3A_535, %reduce_sum3A_536 [0] : vector<48x3136xf32> to vector<3136xf32>
    %broadcast_in_dim3A_538 = vector.shape_cast %reduce_sum3A_537 : vector<3136xf32> to vector<1x3136xf32>
    %sqrt3A_539 = math.sqrt %broadcast_in_dim3A_538 : vector<1x3136xf32>
    %max3A_540 = arith.constant 9.99999996E-13 : f32
    %max3A_541 = vector.broadcast %max3A_540 : f32 to vector<1x3136xf32>
    %max3A_542 = arith.maximumf %sqrt3A_539, %max3A_541 : vector<1x3136xf32>
    %div3A_543 = arith.constant 1.000000e+00 : f32
    %div3A_544 = vector.broadcast %div3A_543 : f32 to vector<1x3136xf32>
    %div3A_545 = arith.divf %div3A_544, %max3A_542 : vector<1x3136xf32>
    %mul3A_546 = vector.broadcast %div3A_545 : vector<1x3136xf32> to vector<48x3136xf32>
    %mul3A_547 = arith.mulf %slice3A_531, %mul3A_546 : vector<48x3136xf32>
    %mul3A_548 = arith.mulf %slice3A_533, %slice3A_533 : vector<64x48xf32>
    %reduce_sum3A_549 = arith.constant dense<0.000000e+00> : vector<64xf32>
    %reduce_sum3A_550 = vector.multi_reduction <add>, %mul3A_548, %reduce_sum3A_549 [1] : vector<64x48xf32> to vector<64xf32>
    %broadcast_in_dim3A_551 = vector.shape_cast %reduce_sum3A_550 : vector<64xf32> to vector<64x1xf32>
    %sqrt3A_552 = math.sqrt %broadcast_in_dim3A_551 : vector<64x1xf32>
    %max3A_553 = arith.constant 9.99999996E-13 : f32
    %max3A_554 = vector.broadcast %max3A_553 : f32 to vector<64x1xf32>
    %max3A_555 = arith.maximumf %sqrt3A_552, %max3A_554 : vector<64x1xf32>
    %div3A_556 = arith.constant 1.000000e+00 : f32
    %div3A_557 = vector.broadcast %div3A_556 : f32 to vector<64x1xf32>
    %div3A_558 = arith.divf %div3A_557, %max3A_555 : vector<64x1xf32>
    %mul3A_559 = vector.broadcast %div3A_558 : vector<64x1xf32> to vector<64x48xf32>
    %mul3A_560 = arith.mulf %slice3A_533, %mul3A_559 : vector<64x48xf32>
    %convert_element_type3A_561 = arith.truncf %mul3A_560 : vector<64x48xf32> to vector<64x48xbf16>
    %convert_element_type3A_562 = arith.truncf %mul3A_547 : vector<48x3136xf32> to vector<48x3136xbf16>
    %dot_general3A_563 = arith.constant dense<0.000000e+00> : vector<64x3136xf32>
    %dot_general3A_564 = tpu.matmul %convert_element_type3A_561, %convert_element_type3A_562, %dot_general3A_563 {dimension_numbers = #tpu.dot_dimension_numbers<[1], [0], [0], [1], [0, 0, 1, 1], [], []>, transpose_lhs_hint = false} : vector<64x48xbf16>, vector<48x3136xbf16>, vector<64x3136xf32> -> vector<64x3136xf32>
    %reduce_max3A_565 = arith.constant dense<0xFF800000> : vector<3136xf32>
    %reduce_max3A_566 = vector.multi_reduction <maximumf>, %dot_general3A_564, %reduce_max3A_565 [0] : vector<64x3136xf32> to vector<3136xf32>
    %broadcast_in_dim3A_567 = vector.shape_cast %reduce_max3A_566 : vector<3136xf32> to vector<1x3136xf32>
    %mul3A_568 = vector.broadcast %get3A_47 : f32 to vector<1x3136xf32>
    %mul3A_569 = arith.mulf %mul3A_568, %broadcast_in_dim3A_567 : vector<1x3136xf32>
    %add3A_570 = vector.broadcast %get3A_50 : f32 to vector<1x3136xf32>
    %add3A_571 = arith.addf %mul3A_569, %add3A_570 : vector<1x3136xf32>
    %logistic3A_572 = arith.negf %add3A_571 : vector<1x3136xf32>
    %logistic3A_573 = math.exp %logistic3A_572 : vector<1x3136xf32>
    %logistic3A_574 = arith.constant 1.000000e+00 : f32
    %logistic3A_575 = vector.broadcast %logistic3A_574 : f32 to vector<1x3136xf32>
    %logistic3A_576 = arith.addf %logistic3A_575, %logistic3A_573 : vector<1x3136xf32>
    %logistic3A_577 = arith.divf %logistic3A_575, %logistic3A_576 : vector<1x3136xf32>
    %eq3A_578 = vector.broadcast %broadcast_in_dim3A_567 : vector<1x3136xf32> to vector<64x3136xf32>
    %eq3A_579 = arith.cmpf oeq, %dot_general3A_564, %eq3A_578 : vector<64x3136xf32>
    %jit3A_580 = arith.constant 0.000000e+00 : f32
    %broadcast_in_dim3A_581 = vector.shape_cast %logistic3A_577 : vector<1x3136xf32> to vector<1x3136xf32>
    %broadcast_in_dim3A_582 = vector.broadcast %broadcast_in_dim3A_581 : vector<1x3136xf32> to vector<64x3136xf32>
    %broadcast_in_dim3A_583 = vector.broadcast %jit3A_580 : f32 to vector<64x3136xf32>
    %select_n3A_584 = arith.select %eq3A_579, %broadcast_in_dim3A_582, %broadcast_in_dim3A_583 : vector<64x3136xi1>, vector<64x3136xf32>
    %reduce_sum3A_585 = arith.constant dense<0.000000e+00> : vector<64xf32>
    %reduce_sum3A_586 = vector.multi_reduction <add>, %select_n3A_584, %reduce_sum3A_585 [1] : vector<64x3136xf32> to vector<64xf32>
    %broadcast_in_dim3A_587 = vector.shape_cast %reduce_sum3A_586 : vector<64xf32> to vector<64x1xf32>
    %add3A_588 = arith.constant 1.000000e+00 : f32
    %add3A_589 = vector.broadcast %add3A_588 : f32 to vector<64x1xf32>
    %add3A_590 = arith.addf %broadcast_in_dim3A_587, %add3A_589 : vector<64x1xf32>
    %convert_element_type3A_591 = arith.truncf %select_n3A_584 : vector<64x3136xf32> to vector<64x3136xbf16>
    %dot_general3A_592 = arith.constant dense<0.000000e+00> : vector<64x48xf32>
    %dot_general3A_593 = tpu.matmul %convert_element_type3A_591, %slice3A_532, %dot_general3A_592 {dimension_numbers = #tpu.dot_dimension_numbers<[1], [1], [0], [0], [0, 0, 1, 0], [], []>, transpose_lhs_hint = false} : vector<64x3136xbf16>, vector<48x3136xbf16>, vector<64x48xf32> -> vector<64x48xf32>
    %add3A_594 = arith.addf %dot_general3A_593, %slice3A_534 : vector<64x48xf32>
    %div3A_595 = vector.broadcast %add3A_590 : vector<64x1xf32> to vector<64x48xf32>
    %div3A_596 = arith.divf %add3A_594, %div3A_595 : vector<64x48xf32>
    %convert_element_type3A_597 = arith.truncf %div3A_596 : vector<64x48xf32> to vector<64x48xbf16>
    %dot_general3A_598 = arith.constant dense<0.000000e+00> : vector<48x3136xf32>
    %dot_general3A_599 = tpu.matmul %convert_element_type3A_597, %convert_element_type3A_591, %dot_general3A_598 {dimension_numbers = #tpu.dot_dimension_numbers<[0], [0], [1], [1], [0, 1, 1, 1], [], []>, transpose_lhs_hint = false} : vector<64x48xbf16>, vector<64x3136xbf16>, vector<48x3136xf32> -> vector<48x3136xf32>
    %convert_element_type3A_600 = arith.truncf %dot_general3A_599 : vector<48x3136xf32> to vector<48x3136xbf16>
    %concatenate3A_601 = tpu.concatenate %convert_element_type3A_110, %convert_element_type3A_180, %convert_element_type3A_250, %convert_element_type3A_320, %convert_element_type3A_390, %convert_element_type3A_460, %convert_element_type3A_530, %convert_element_type3A_600 in 0 : vector<48x3136xbf16>, vector<48x3136xbf16>, vector<48x3136xbf16>, vector<48x3136xbf16>, vector<48x3136xbf16>, vector<48x3136xbf16>, vector<48x3136xbf16>, vector<48x3136xbf16> -> vector<384x3136xbf16>
    %get3A_602 = arith.constant 0 : index
    %get3A_603 = arith.constant 0 : index
    %get3A_604 = vector.load %arg8[%get3A_602, %get3A_603] : memref<384x384xbf16, #tpu.memory_space<vmem>>, vector<384x384xbf16>
    %dot_general3A_605 = arith.constant dense<0.000000e+00> : vector<384x3136xf32>
    %dot_general3A_606 = tpu.matmul %get3A_604, %concatenate3A_601, %dot_general3A_605 {dimension_numbers = #tpu.dot_dimension_numbers<[1], [0], [0], [1], [0, 0, 1, 1], [], []>, transpose_lhs_hint = false} : vector<384x384xbf16>, vector<384x3136xbf16>, vector<384x3136xf32> -> vector<384x3136xf32>
    %get3A_607 = arith.constant 0 : index
    %get3A_608 = arith.constant 0 : index
    %get3A_609 = vector.load %arg9[%get3A_607, %get3A_608] : memref<384x1xf32, #tpu.memory_space<vmem>>, vector<384x1xf32>
    %add3A_610 = vector.broadcast %get3A_609 : vector<384x1xf32> to vector<384x3136xf32>
    %add3A_611 = arith.addf %dot_general3A_606, %add3A_610 : vector<384x3136xf32>
    %convert_element_type3A_612 = arith.truncf %add3A_611 : vector<384x3136xf32> to vector<384x3136xbf16>
    %swap3A = arith.constant 0 : index
    %swap3A_613 = arith.constant 0 : index
    %swap3A_614 = arith.constant 0 : index
    %swap3A_615 = arith.constant 0 : index
    %swap3A_616 = arith.constant 0 : index
    %swap3A_617 = vector.load %arg12[%swap3A, %swap3A_613, %swap3A_614, %swap3A_615, %swap3A_616] : memref<1x1x1x384x3136xbf16, #tpu.memory_space<vmem>>, vector<1x1x1x384x3136xbf16>
    %swap3A_618 = vector.shape_cast %swap3A_617 : vector<1x1x1x384x3136xbf16> to vector<384x3136xbf16>
    %swap3A_619 = vector.shape_cast %convert_element_type3A_612 : vector<384x3136xbf16> to vector<1x1x1x384x3136xbf16>
    tpu.vector_store %arg12[%swap3A, %swap3A_613, %swap3A_614, %swap3A_615, %swap3A_616], %swap3A_619 {strides = array<i32>} : memref<1x1x1x384x3136xbf16, #tpu.memory_space<vmem>>, vector<1x1x1x384x3136xbf16>,
    return
  }
  func.func @transform_0(%arg0: i32, %arg1: i32, %arg2: i32) -> (i32, i32, i32, i32, i32) {
    %c0_i32 = arith.constant 0 : i32
    %c0_i32_0 = arith.constant 0 : i32
    %c0_i32_1 = arith.constant 0 : i32
    return %arg0, %arg1, %arg2, %c0_i32, %c0_i32_0 : i32, i32, i32, i32, i32
  }
  func.func @transform_1(%arg0: i32, %arg1: i32, %arg2: i32) -> (i32, i32) {
    %c0_i32 = arith.constant 0 : i32
    %c0_i32_0 = arith.constant 0 : i32
    %c0_i32_1 = arith.constant 0 : i32
    return %c0_i32, %c0_i32_0 : i32, i32
  }
  func.func @transform_2(%arg0: i32, %arg1: i32, %arg2: i32) -> (i32, i32) {
    %c0_i32 = arith.constant 0 : i32
    %c0_i32_0 = arith.constant 0 : i32
    %c0_i32_1 = arith.constant 0 : i32
    return %c0_i32, %c0_i32_0 : i32, i32
  }
  func.func @transform_3(%arg0: i32, %arg1: i32, %arg2: i32) -> (i32, i32) {
    %c0_i32 = arith.constant 0 : i32
    %c0_i32_0 = arith.constant 0 : i32
    %c0_i32_1 = arith.constant 0 : i32
    return %c0_i32, %c0_i32_0 : i32, i32
  }
  func.func @transform_4(%arg0: i32, %arg1: i32, %arg2: i32) -> (i32, i32) {
    %c0_i32 = arith.constant 0 : i32
    %c0_i32_0 = arith.constant 0 : i32
    %c0_i32_1 = arith.constant 0 : i32
    return %c0_i32, %c0_i32_0 : i32, i32
  }
  func.func @transform_5(%arg0: i32, %arg1: i32, %arg2: i32) -> (i32, i32) {
    %c0_i32 = arith.constant 0 : i32
    %c0_i32_0 = arith.constant 0 : i32
    %c0_i32_1 = arith.constant 0 : i32
    return %c0_i32, %c0_i32_0 : i32, i32
  }
  func.func @transform_6(%arg0: i32, %arg1: i32, %arg2: i32) -> (i32, i32) {
    %c0_i32 = arith.constant 0 : i32
    %c0_i32_0 = arith.constant 0 : i32
    %c0_i32_1 = arith.constant 0 : i32
    return %c0_i32, %c0_i32_0 : i32, i32
  }
  func.func @transform_7(%arg0: i32, %arg1: i32, %arg2: i32) -> (i32, i32) {
    %c0_i32 = arith.constant 0 : i32
    %c0_i32_0 = arith.constant 0 : i32
    %c0_i32_1 = arith.constant 0 : i32
    return %c0_i32, %c0_i32_0 : i32, i32
  }
  func.func @transform_8(%arg0: i32, %arg1: i32, %arg2: i32) -> (i32, i32) {
    %c0_i32 = arith.constant 0 : i32
    %c0_i32_0 = arith.constant 0 : i32
    %c0_i32_1 = arith.constant 0 : i32
    return %c0_i32, %c0_i32_0 : i32, i32
  }
  func.func @transform_9(%arg0: i32, %arg1: i32, %arg2: i32) -> (i32, i32, i32, i32, i32) {
    %c0_i32 = arith.constant 0 : i32
    %c0_i32_0 = arith.constant 0 : i32
    %c0_i32_1 = arith.constant 0 : i32
    return %arg0, %arg1, %arg2, %c0_i32, %c0_i32_0 : i32, i32, i32, i32, i32
  }
}

</mosaic_0001>

<sc_bundles>
// kernel: sparse-core-data-format-call.1.cloned.1.call-start
scs
called_computation.1_lowered:
.L_overlay_start_0:
0x0: {  	s2 =	sld [smem:$0x3FD9]  }
0x1: {  	s3 =	sld [smem:$0x3FFE];
	_ =	sdelay $0x1  }
0x2: {  	s1 =	srdreg.scid  }
0x3: {  	s0 =	sand.u32 $0x1, s1  }
0x4: {  	s18 =	sshll.u32 s0, $0xA;
	s2 =	sadd.s32 s3, s2  }
0x5: {  	s2 =	sadd.s32 s2, s18  }
0x6: {  	[smem:$0x3FC1] =	sst s2  }
0x7: {  	_ = 	snop  }
0x8: {  	s2 =	sld [smem:$0x3FD0];
	(tm) =	ssettm $0x1  }
0x9: {  	s19 =	sld [smem:$0x3FFB];
	_ =	sdelay $0x3  }
0xa: {  	_ =	strace s19  }
0xb: {  	s3 =	sld [smem:$0x3FFC];
	_ =	sdelay $0x3  }
0xc: {  	_ =	strace s3  }
0xd: {  	s3 =	sld [smem:$0x3FFD];
	_ =	sdelay $0x3  }
0xe: {  	_ =	strace s3  }
0xf: {  	_ =	strace $0x8FFFFFFF  }
0x10: {  	s20 =	sld [smem:$0x3FDB];
	_ =	sdelay $0x1  }
0x11: {  	s4 =	simm.s32 $_scs_section_size  }
0x12: {  	s5 =	simm.s32 $_size__tile_overlayer_lowered;
	s6 =	simm.s32 $_tile_overlayer_lowered  }
0x13: {  	s23 =	simm.s32 $0x1BFF;
	s22 =	sshll.u32 s6, $0x1;
	s3 =	sadd.s32 s4, s20  }
0x14: {  	s7 =	simm.s32 $0x0;
	s21 =	sshll.u32 s5, $0x1;
	s5 =	sadd.s32 s22, s3  }
0x15: {  	[timem:s7], [sflag:s23] =	dma.local [hbm:s5], s21  }
0x16: {  	_ =	swait.ge [sflag:s23], s21  }
0x17: {  	s4 =	ssub.s32 $0x0, s21;
	[sflag:s23] =	ssyncset.done $0x0  }
0x18: {  	[sflag:s23] =	ssyncadd.s32 s4;
	_ =	sdelay $0x1  }
0x19: {  	s24 =	simm.s32 $0x1B8B  }
0x1a: {  	_ =	swait.ge [sflag:s24], $0x1  }
0x1b: {  	[sflag:s24] =	ssyncset.done $0x0  }
0x1c: {  	s26 =	simm.s32 $0x1B8E;
	s25 =	sld [smem:$0x3FFE];
	[sflag:s24] =	ssyncadd.s32 $0xFFFFFFFF  }
0x1d: {  	s27 =	simm.s32 $execute0_lowered;
	[smem:$0x3FD2] =	sst s26  }
0x1e: {  	s5 =	sshll.u32 s27, $0x1;
	_ =	strace $0x80000046;
	[dreg:$0x1] =	wrdreg $0xFFFFFFFF  }
0x1f: {  	s28 =	simm.s32 $_size_execute0_lowered;
	s3 =	sadd.s32 s3, s5;
	[dreg:$0x0] =	wrdreg $0x0  }
0x20: {  	s5 =	sshll.u32 s28, $0x1;
	[dreg:$0x2] =	wrdreg s3  }
0x21: {  	[dreg:$0x3] =	wrdreg s5  }
0x22: {  	[dreg:$0x4] =	wrdreg $0xC0  }
0x23: {  	_ =	task [dreg:s7], $0x5FFFF  }
0x24: {  	[dreg:$0x1] =	wrdreg $0xFFFFFFFF  }
0x25: {  	[dreg:$0x0] =	wrdreg $0x60  }
0x26: {  	[dreg:$0x2] =	wrdreg s2  }
0x27: {  	[dreg:$0x3] =	wrdreg s25  }
0x28: {  	[dreg:$0x4] =	wrdreg $0x9  }
0x29: {  	_ =	task.clear_ibuf [dreg:s7], $0x5FFFF;
	_ =	strace $0x90000046  }
0x2a: {  	s29 =	simm.s32 $0x9;
	_ =	strace $0x80000048  }
0x2b: {  	_ =	swait.ge [sflag:s29], $0x1  }
0x2c: {  	[sflag:s29] =	ssyncadd.s32 $0xFFFFFFFF  }
0x2d: {  	_ =	strace $0x90000048  }
0x2e: {  	_ =	sfence  }
0x2f: {  	s30 =	sld [smem:$0x0];
	_ =	sdelay $0x2  }
0x30: {  	s31 =	sshll.u32 s1, $0xD;
	s1 =	sshrl.u32 s1, $0x2  }
0x31: {  	s3 =	sand.u32 $0x4000, s31;
	s1 =	sadd.s32 s1, s30  }
0x32: {  	s0 =	sor.u32 s3, s0;
	s1 =	sshll.u32 s1, $0x11  }
0x33: {  	s0 =	sor.u32 s1, s0  }
0x34: {  	s0 =	sadd.s32 $0x8F2B, s0  }
0x35: {  	[sflag:s0] =	ssyncadd.remote.s32 $0x1  }
0x36: {  	_ =	sfence.sel $0xFFFF  }
0x37: {  	[dreg:$0x0] =	wrdreg $0xFFFFFFFF;
	(pc) =	sbr.abs _section_cstart, $3  }
0x38: {  	[dreg:$0x1] =	wrdreg $0xFFFFFFFF  }
0x39: {  	_ =	task.clear_ibuf [dreg:s7], $0x2FFFF;
	_ =	strace $0x9FFFFFFF  }
0x3a: {  	(tm) =	ssettm $0x7FFFFFFF  }
0x3b: {  	_ =	shalt  }
tec
execute0_lowered:
.L_overlay_start_1:
0x0: {  	(tag) =	ssettag $0x1  }
0x1: {  	s11 =	rddreg [dreg:$0x0];
	s6 =	stileid.u32  }
0x2: {  	s0 =	srdreg.scid;
	s1 =	rddreg [dreg:$0x1]  }
0x3: {  	_ =	strace $0x80000047;
	s5 =	simm.s32 $0x1;
	s28 =	simm.s32 $0x2  }
0x4: {  	s24 =	simm.s32 $0x0;
	s13 =	simm.s32 $0x2A00;
	s21 =	simm.s32 $0x0  }
0x5: {  	s22 =	simm.s32 $0x0;
	s23 =	simm.s32 $0x0;
	s25 =	simm.s32 $0x0  }
0x6: {  	s14 =	simm.s32 $0x0;
	s15 =	simm.s32 $0x0;
	s16 =	simm.s32 $0x0  }
0x7: {  	s20 =	simm.s32 $0x0;
	s0 =	sshll.u32 s0, $0x4;
	s3 =	sand.u32 $0x1, s6  }
0x8: {  	s7 =	sadd.s32 $0xA00, s1;
	s27 =	sshrl.u32 s6, $0x1;
	s29 =	sadd.s32 $0x13000, s1  }
0x9: {  	s30 =	sadd.s32 $0x25600, s1;
	s31 =	sadd.s32 $0x37C00, s1;
	[dreg:$0x3] =	wrdreg s7  }
0xa: {  	s0 =	sor.u32 s6, s0;
	s2 =	ssub.s32 $0x2, s3;
	[dreg:$0x4] =	wrdreg s29  }
0xb: {  	s6 =	simm.s32 $0x1;
	[dreg:$0x5] =	wrdreg s30;
	s4 =	sand.u32 $0x18, s0  }
0xc: {  	s26 =	sshrl.u32 s2, $0x1;
	s2 =	sand.u32 $0x1, s2;
	p0 =	sne.s32 s4, $0x18  }
.Ltmp0:
0xd: {  	s0 =	sadd.s32 s2, s26;
	s5 =	simm.s32 @!p0 $0x0;
	(pc) =	sbr.rel .LBB1_1-.Ltmp0, $4  }
0xe: {  	s8 =	sand.u32 $0x3, s27;
	[dreg:$0x6] =	wrdreg s31;
	s0 =	sshll.u32 s0, s5  }
0xf: {  	s19 =	smov.u32 s3;
	[sflag:s6] =	ssyncpa.u1 $0x0;
	s7 =	smul.u32 $0x15, s0  }
0x10: {  	s18 =	smov.u32 s8;
	[sflag:s28] =	ssyncpa.u1 $0x0;
	s26 =	simm.s32 $0x0  }
0x11: {  	s17 =	smov.u32 s4;
	p0 =	por $0x0, $0x0;
	s12 =	sadd.s32 $0x1, s7  }
.LBB1_9:
0x12: {  	s0 =	sadd.s32 $0x80, s14  }
0x13: {  	s1 =	sadd.s32 $0x8, s15;
	s2 =	smov.u32 s15;
	p2 =	sgt.s32 s0, $0x17F  }
0x14: {  	s2 =	smov.u32 @p2 s1  }
0x15: {  	s5 =	smov.u32 s16;
	s1 =	sadd.s32 $0x4, s16;
	p3 =	sgt.s32 s2, $0x37  }
0x16: {  	s9 =	smov.u32 s17;
	s5 =	smov.u32 @p3 s1  }
0x17: {  	s10 =	smov.u32 s18;
	s1 =	sadd.s32 $0x20, s17;
	p4 =	sgt.s32 s5, $0x3  }
0x18: {  	p1 =	slt.u32 s20, $0x2;
	s27 =	smov.u32 s19;
	s9 =	smov.u32 @p4 s1  }
0x19: {  	s24 =	smov.u32 s14;
	s1 =	sadd.s32 $0x4, s18;
	p5 =	sgt.s32 s9, $0x37  }
0x1a: {  	s26 =	smov.u32 s15;
	s21 =	smov.u32 s16;
	s10 =	smov.u32 @p5 s1  }
0x1b: {  	s0 =	simm.s32 @p2 $0x0;
	s1 =	sadd.s32 $0x2, s19;
	p2 =	sgt.s32 s10, $0x3  }
0x1c: {  	s22 =	smov.u32 s17;
	s23 =	smov.u32 s18;
	s27 =	smov.u32 @p2 s1  }
0x1d: {  	s25 =	smov.u32 s19;
	s10 =	smov.u32 @p2 s8;
	p2 =	sgt.s32 s27, $0x1  }
0x1e: {  	p0 =	por !p0, !p0;
	s27 =	smov.u32 @p2 s3;
	p2 =	sne.s32 s20, s12  }
.Ltmp1:
0x1f: {  	s14 =	smov.u32 s0;
	s2 =	simm.s32 @p3 $0x0;
	(pc) =	sbr.rel @!p2 .LBB1_10-.Ltmp1, $4  }
0x20: {  	s15 =	smov.u32 s2;
	s5 =	simm.s32 @p4 $0x0;
	s1 =	simm.s32 @!p1 $0x2  }
0x21: {  	s16 =	smov.u32 s5;
	s9 =	smov.u32 @p5 s4;
	_ =	swait.ge @!p1 [sflag:s1], $0x4000  }
0x22: {  	s17 =	smov.u32 s9;
	s18 =	smov.u32 s10;
	[sflag:s1] =	ssyncset.done @!p1 $0x0  }
0x23: {  	s20 =	sadd.s32 $0x1, s20;
	[sflag:s1] =	ssyncadd.s32 @!p1 $0xFFFFC000;
	s19 =	smov.u32 s27  }
.LBB1_1:
0x24: {  	p1 =	sge.u32 s20, s7  }
0x25: {  	s0 =	sshrl.u32 @!p1 s15, $0x3  }
0x26: {  	s1 =	sshll.u32 @!p1 s14, $0x3;
	s0 =	smul.u32 @!p1 $0xC00, s0  }
0x27: {  	s2 =	sshll.u32 @!p1 s15, $0x7;
	s1 =	sand.u32 @!p1 $0xFFFFFC00, s1  }
0x28: {  	s0 =	sadd.s32 @!p1 s0, s1;
	s1 =	sand.u32 @!p1 $0x300, s2;
	s2 =	sshll.u32 @!p1 s14, $0x1  }
0x29: {  	s0 =	sor.u32 @!p1 s1, s0;
	s1 =	sand.u32 @!p1 $0xFE, s2  }
0x2a: {  	s9 =	smul.u32 @!p1 $0x126000, s19;
	s2 =	sand.u32 @!p1 $0x1, s15;
	s0 =	sor.u32 @!p1 s1, s0  }
0x2b: {  	s1 =	sor.u32 @!p1 s2, s0;
	s0 =	smulhi.u32 @!p1 $0xAAAAAAAB, s0  }
0x2c: {  	s10 =	smul.u32 @!p1 $0x49800, s18  }
0x2d: {  	s2 =	smulhi.u32 @!p1 $0xAAAAAAAB, s1;
	s0 =	sshrl.u32 @!p1 s0, $0x8  }
0x2e: {  	s5 =	smulhi.u32 @!p1 $0x4924925, s0  }
0x2f: {  	s27 =	smul.u32 @!p1 $0x1500, s17  }
0x30: {  	s2 =	sshrl.u32 @!p1 s2, $0x8;
	s5 =	smul.u32 @!p1 $0x38, s5  }
0x31: {  	s9 =	sadd.s32 @!p1 s11, s9;
	s2 =	smul.u32 @!p1 $0x180, s2  }
0x32: {  	s9 =	sadd.s32 @!p1 s10, s9;
	s0 =	ssub.s32 @!p1 s0, s5;
	s5 =	smul.u32 @!p1 $0x540, s16  }
0x33: {  	s31 =	sadd.s32 $0xFFFFFFFF, s20;
	s9 =	sadd.s32 @!p1 s27, s9;
	s0 =	smul.u32 @!p1 $0x18, s0  }
0x34: {  	s10 =	sxor.u32 @!p1 $0xFFFFFFFF, s20;
	s1 =	ssub.s32 @!p1 s1, s2;
	s2 =	sadd.s32 @!p1 s5, s9  }
0x35: {  	s5 =	sshrl.u32 @!p1 s1, $0x4;
	s1 =	sshll.u32 @!p1 s1, $0x11;
	s0 =	sadd.s32 @!p1 s0, s2  }
0x36: {  	s2 =	sshll.u32 @!p1 s10, $0xE;
	s1 =	sand.u32 @!p1 $0x1C0000, s1;
	s0 =	sadd.s32 @!p1 s5, s0  }
0x37: {  	s2 =	sand.u32 @!p1 $0x4000, s2;
	s1 =	sor.u32 @!p1 $0x200, s1;
	s5 =	simm.s32 @!p1 $0x2A00  }
0x38: {  	[tilespmem:s2], [sflag:$0x1] =	stream.strided.gather @!p1 [hbm4b:s0+s1], $0x4000, s5, s1, $0x38;
	[tilespmem:$0x10000] =	vst v63  }
0x39: {  	p1 =	sge.u32 s31, s7  }
.Ltmp2:
0x3a: {  	_ = 	snop;
	(pc) =	sbr.rel @p1 .LBB1_9-.Ltmp2, $1  }
0x3b: {  	_ =	sdelay $0x3  }
0x3c: {  	s0 =	simm.s32 $0x1;
	_ =	swait.ge [sflag:s6], $0x4000;
	s2 =	sshll.u32 s20, $0xE  }
0x3d: {  	s31 =	simm.s32 $0x0;
	s0 =	simm.s32 @!p0 $0x0;
	[sflag:s6] =	ssyncset.done $0x0  }
0x3e: {  	s27 =	sand.u32 $0x4000, s2;
	s0 =	sshll.u32 s0, $0xE;
	[sflag:s6] =	ssyncadd.s32 $0xFFFFC000  }
0x3f: {  	s28 =	sor.u32 $0x8000, s27;
	s5 =	sor.u32 $0x8040, s0;
	s1 =	sor.u32 $0x40, s0  }
.LBB1_3:
0x40: {  	s30 =	smov.u32 s1;
	s0 =	smov.u32 s5;
	s2 =	simm.s32 $0x0  }
.LBB1_4:
0x41: {  	v3 =	vld [tilespmem:s30+$0x30]  }
0x42: {  	v4 =	vld [tilespmem:s30+$0xFFFFFFD0]  }
0x43: {  	v5 =	vld [tilespmem:s30+$0xFFFFFFE0]  }
0x44: {  	v1 =	vld [tilespmem:s30+$0xFFFFFFF0]  }
0x45: {  	v0 =	vld [tilespmem:s30+$0x0]  }
0x46: {  	v2 =	vld [tilespmem:s30+$0x10];
	[tilespmem:s0+$0x30] =	vst v3  }
0x47: {  	[tilespmem:s0+$0xFFFFFFD0] =	vst v4;
	v4 =	vld [tilespmem:s30+$0x20]  }
0x48: {  	s9 =	simm.s32 $0x0;
	s10 =	sadd.s32 $0x80, s30;
	s29 =	smov.u32 s0;
	v3 =	vld [tilespmem:s30+$0xFFFFFFC0];
	[tilespmem:s0+$0xFFFFFFE0] =	vst v5  }
.LBB1_5:
0x49: {  	v5 =	vld [tilespmem:s10+$0x30];
	s9 =	sadd.s32 $0x2, s9;
	[tilespmem:s29+$0xFFFFFFF0] =	vst v1  }
0x4a: {  	v6 =	vld [tilespmem:s10+$0xFFFFFFD0];
	p1 =	slt.u32 s9, $0x6;
	[tilespmem:s29+$0x0] =	vst v0  }
0x4b: {  	v7 =	vld [tilespmem:s10+$0xFFFFFFE0];
	[tilespmem:s29+$0x10] =	vst v2  }
.Ltmp3:
0x4c: {  	v1 =	vld [tilespmem:s10+$0xFFFFFFF0];
	[tilespmem:s29+$0x20] =	vst v4;
	(pc) =	sbr.rel @p1 .LBB1_5-.Ltmp3, $4  }
0x4d: {  	v0 =	vld [tilespmem:s10+$0x0];
	[tilespmem:s29+$0xFFFFFFC0] =	vst v3;
	s29 =	sadd.s32 $0x80, s29  }
0x4e: {  	v2 =	vld [tilespmem:s10+$0x10];
	[tilespmem:s29+$0x30] =	vst v5  }
0x4f: {  	[tilespmem:s29+$0xFFFFFFD0] =	vst v6;
	v4 =	vld [tilespmem:s10+$0x20]  }
0x50: {  	v3 =	vld [tilespmem:s10+$0xFFFFFFC0];
	[tilespmem:s29+$0xFFFFFFE0] =	vst v7;
	s10 =	sadd.s32 $0x80, s10  }
0x51: {  	s2 =	sadd.s32 $0x1, s2  }
0x52: {  	p1 =	sne.s32 s2, $0x4  }
.Ltmp4:
0x53: {  	[tilespmem:s29+$0xFFFFFFF0] =	vst v1;
	(pc) =	sbr.rel @p1 .LBB1_4-.Ltmp4, $4  }
0x54: {  	[tilespmem:s29+$0x0] =	vst v0  }
0x55: {  	[tilespmem:s29+$0x10] =	vst v2  }
0x56: {  	[tilespmem:s29+$0x20] =	vst v4  }
0x57: {  	s0 =	sadd.s32 $0x1000, s0;
	s30 =	sadd.s32 $0x200, s30;
	[tilespmem:s29+$0xFFFFFFC0] =	vst v3  }
0x58: {  	s31 =	sadd.s32 $0x1, s31  }
0x59: {  	p1 =	sne.s32 s31, $0x8  }
.Ltmp5:
0x5a: {  	_ = 	snop;
	(pc) =	sbr.rel @p1 .LBB1_3-.Ltmp5, $2  }
0x5b: {  	_ =	sdelay $0x2  }
0x5c: {  	s5 =	sadd.s32 $0x200, s5;
	s1 =	sadd.s32 $0x800, s1  }
0x5d: {  	s0 =	sshrl.u32 s26, $0x3  }
0x5e: {  	s1 =	sshll.u32 s24, $0x3;
	s0 =	smul.u32 $0xC00, s0  }
0x5f: {  	s2 =	sshll.u32 s26, $0x7;
	s1 =	sand.u32 $0xFFFFFC00, s1  }
0x60: {  	s24 =	sshll.u32 s24, $0x1;
	s10 =	sand.u32 $0x300, s2;
	s0 =	sadd.s32 s0, s1  }
0x61: {  	s29 =	sand.u32 $0xFE, s24;
	s0 =	sor.u32 s10, s0  }
0x62: {  	s30 =	sand.u32 $0x1, s26;
	s9 =	smul.u32 $0x126000, s25;
	s0 =	sor.u32 s29, s0  }
0x63: {  	s1 =	sor.u32 s30, s0;
	s0 =	smulhi.u32 $0xAAAAAAAB, s0  }
0x64: {  	s10 =	smul.u32 $0x49800, s23  }
0x65: {  	s2 =	smulhi.u32 $0xAAAAAAAB, s1;
	s0 =	sshrl.u32 s0, $0x8  }
0x66: {  	s5 =	smulhi.u32 $0x4924925, s0  }
0x67: {  	s9 =	sadd.s32 s9, s10;
	s10 =	smul.u32 $0x540, s22  }
0x68: {  	s2 =	sshrl.u32 s2, $0x8;
	s5 =	smul.u32 $0x38, s5  }
0x69: {  	s22 =	rddreg [dreg:$0x3];
	s2 =	smul.u32 $0x180, s2  }
0x6a: {  	s31 =	smul.u32 $0x12600, s21;
	s21 =	sadd.s32 s22, s9;
	s0 =	ssub.s32 s0, s5  }
0x6b: {  	s23 =	sadd.s32 s10, s21;
	s1 =	ssub.s32 s1, s2;
	s0 =	smul.u32 $0x18, s0  }
0x6c: {  	s2 =	sadd.s32 s31, s23;
	s24 =	sshll.u32 s1, $0x11  }
0x6d: {  	s1 =	sshrl.u32 s1, $0x4;
	s21 =	sand.u32 $0x1C0000, s24;
	s2 =	sadd.s32 s0, s2  }
0x6e: {  	s25 =	rddreg [dreg:$0x4];
	s21 =	sor.u32 $0x200, s21;
	s2 =	sadd.s32 s1, s2  }
0x6f: {  	[hbm4b:s2+s21] =	stream.strided.scatter [tilespmem:s28], [sflag:$0x2], $0x1000, s13, s21, $0x38;
	[tilespmem:$0x10000] =	vst v63  }
0x70: {  	s2 =	sadd.s32 s9, s25  }
0x71: {  	s2 =	sadd.s32 s10, s2  }
0x72: {  	s2 =	sadd.s32 s31, s2  }
0x73: {  	s2 =	sadd.s32 s0, s2  }
0x74: {  	s26 =	sadd.s32 $0x9000, s27;
	s28 =	rddreg [dreg:$0x5];
	s2 =	sadd.s32 s1, s2  }
0x75: {  	[hbm4b:s2+s21] =	stream.strided.scatter [tilespmem:s26], [sflag:$0x2], $0x1000, s13, s21, $0x38;
	[tilespmem:$0x10000] =	vst v63  }
0x76: {  	s2 =	sadd.s32 s9, s28  }
0x77: {  	s2 =	sadd.s32 s10, s2  }
0x78: {  	s2 =	sadd.s32 s31, s2  }
0x79: {  	s2 =	sadd.s32 s0, s2  }
0x7a: {  	s29 =	sadd.s32 $0xA000, s27;
	s30 =	rddreg [dreg:$0x6];
	s2 =	sadd.s32 s1, s2  }
0x7b: {  	[hbm4b:s2+s21] =	stream.strided.scatter [tilespmem:s29], [sflag:$0x2], $0x1000, s13, s21, $0x38;
	[tilespmem:$0x10000] =	vst v63  }
0x7c: {  	s2 =	sadd.s32 s9, s30  }
.Ltmp6:
0x7d: {  	s2 =	sadd.s32 s10, s2;
	(pc) =	sbr.rel .LBB1_9-.Ltmp6, $4  }
0x7e: {  	s2 =	sadd.s32 s31, s2  }
0x7f: {  	s0 =	sadd.s32 s0, s2  }
0x80: {  	s31 =	sadd.s32 $0xB000, s27;
	s0 =	sadd.s32 s1, s0  }
0x81: {  	[hbm4b:s0+s21] =	stream.strided.scatter [tilespmem:s31], [sflag:$0x2], $0x1000, s13, s21, $0x38;
	[tilespmem:$0x10000] =	vst v63  }
.LBB1_10:
0x82: {  	_ =	sfence.sel $0x180000  }
0x83: {  	s0 =	simm.s32 $0x1;
	[bflag:$0x0] =	sbarrier.arrive $0xFFFF  }
0x84: {  	s30 =	simm.s32 $0x2;
	[sflag:s0] =	ssyncpa.u1 $0x1  }
0x85: {  	[sflag:s30] =	ssyncpa.u1 $0x1  }
0x86: {  	_ =	strace $0x90000047  }
0x87: {  	s31 =	stileid.u32;
	[bflag:$0x2] =	sbarrier.arrive $0xFFFF  }
0x88: {  	p0 =	sne.s32 s31, $0x0;
	s0 =	rddreg [dreg:$0x2]  }
0x89: {  	s0 =	sadd.s32 @!p0 $0x100000, s0  }
0x8a: {  	[sflag:s0] =	ssyncadd.tile.s32 @!p0 $0x1;
	_ =	shalt  }
.Lfunc_end1:
_tile_overlayer_lowered:
.L_overlay_start_2:
0x8b: {  	(tag) =	ssettag $0x2  }
0x8c: {  	s0 =	rddreg [dreg:$0x0];
	s2 =	stileid.u32  }
0x8d: {  	s1 =	rddreg [dreg:$0x1];
	p0 =	sne.s32 s2, $0x0  }
0x8e: {  	s3 =	rddreg [dreg:$0x2];
	[bflag:$0x3] =	sbarrier.arrive $0xFFFF;
	s2 =	simm.s32 @!p0 $0x1C01  }
0x8f: {  	[timem:s3], [sflag:s2] =	dma.local @!p0 [hbm:s0], s1  }
0x90: {  	s0 =	simm.s32 @!p0 $0x1  }
0x91: {  	_ =	swait.ge @!p0 [sflag:s0], s1  }
0x92: {  	s1 =	ssub.s32 @!p0 $0x0, s1;
	[sflag:s0] =	ssyncset.done @!p0 $0x0  }
0x93: {  	[sflag:s0] =	ssyncadd.s32 @!p0 s1  }
0x94: {  	[bflag:$0x3] =	sbarrier.arrive $0xFFFF  }
0x95: {  	_ =	shalt  }

// kernel: sparse-core-data-format-call.cloned.1.call-start
scs
called_computation_lowered:
.L_overlay_start_0:
0x0: {  	s2 =	sld [smem:$0x3FD9]  }
0x1: {  	s3 =	sld [smem:$0x3FFE];
	_ =	sdelay $0x1  }
0x2: {  	s1 =	srdreg.scid  }
0x3: {  	s0 =	sand.u32 $0x1, s1  }
0x4: {  	s18 =	sshll.u32 s0, $0xA;
	s2 =	sadd.s32 s3, s2  }
0x5: {  	s2 =	sadd.s32 s2, s18  }
0x6: {  	[smem:$0x3FC1] =	sst s2  }
0x7: {  	_ = 	snop  }
0x8: {  	s2 =	sld [smem:$0x3FD0];
	(tm) =	ssettm $0x1  }
0x9: {  	s19 =	sld [smem:$0x3FFB];
	_ =	sdelay $0x3  }
0xa: {  	_ =	strace s19  }
0xb: {  	s3 =	sld [smem:$0x3FFC];
	_ =	sdelay $0x3  }
0xc: {  	_ =	strace s3  }
0xd: {  	s3 =	sld [smem:$0x3FFD];
	_ =	sdelay $0x3  }
0xe: {  	_ =	strace s3  }
0xf: {  	_ =	strace $0x8FFFFFFF  }
0x10: {  	s20 =	sld [smem:$0x3FDB];
	_ =	sdelay $0x1  }
0x11: {  	s4 =	simm.s32 $_scs_section_size  }
0x12: {  	s5 =	simm.s32 $_size__tile_overlayer_lowered;
	s6 =	simm.s32 $_tile_overlayer_lowered  }
0x13: {  	s23 =	simm.s32 $0x1BFF;
	s22 =	sshll.u32 s6, $0x1;
	s3 =	sadd.s32 s4, s20  }
0x14: {  	s7 =	simm.s32 $0x0;
	s21 =	sshll.u32 s5, $0x1;
	s5 =	sadd.s32 s22, s3  }
0x15: {  	[timem:s7], [sflag:s23] =	dma.local [hbm:s5], s21  }
0x16: {  	_ =	swait.ge [sflag:s23], s21  }
0x17: {  	s4 =	ssub.s32 $0x0, s21;
	[sflag:s23] =	ssyncset.done $0x0  }
0x18: {  	[sflag:s23] =	ssyncadd.s32 s4;
	_ =	sdelay $0x1  }
0x19: {  	s24 =	simm.s32 $0x1B8B  }
0x1a: {  	_ =	swait.ge [sflag:s24], $0x1  }
0x1b: {  	[sflag:s24] =	ssyncset.done $0x0  }
0x1c: {  	s26 =	simm.s32 $0x1B8E;
	s25 =	sld [smem:$0x3FFE];
	[sflag:s24] =	ssyncadd.s32 $0xFFFFFFFF  }
0x1d: {  	s27 =	simm.s32 $execute0_lowered;
	[smem:$0x3FD2] =	sst s26  }
0x1e: {  	s5 =	sshll.u32 s27, $0x1;
	_ =	strace $0x80000049;
	[dreg:$0x1] =	wrdreg $0xFFFFFFFF  }
0x1f: {  	s28 =	simm.s32 $_size_execute0_lowered;
	s3 =	sadd.s32 s3, s5;
	[dreg:$0x0] =	wrdreg $0x0  }
0x20: {  	s5 =	sshll.u32 s28, $0x1;
	[dreg:$0x2] =	wrdreg s3  }
0x21: {  	[dreg:$0x3] =	wrdreg s5  }
0x22: {  	[dreg:$0x4] =	wrdreg $0xC0  }
0x23: {  	_ =	task [dreg:s7], $0x5FFFF  }
0x24: {  	[dreg:$0x1] =	wrdreg $0xFFFFFFFF  }
0x25: {  	[dreg:$0x0] =	wrdreg $0x60  }
0x26: {  	[dreg:$0x2] =	wrdreg s25  }
0x27: {  	[dreg:$0x3] =	wrdreg s2  }
0x28: {  	[dreg:$0x4] =	wrdreg $0x9  }
0x29: {  	_ =	task.clear_ibuf [dreg:s7], $0x5FFFF;
	_ =	strace $0x90000049  }
0x2a: {  	s29 =	simm.s32 $0x9;
	_ =	strace $0x8000004B  }
0x2b: {  	_ =	swait.ge [sflag:s29], $0x1  }
0x2c: {  	[sflag:s29] =	ssyncadd.s32 $0xFFFFFFFF  }
0x2d: {  	_ =	strace $0x9000004B  }
0x2e: {  	_ =	sfence  }
0x2f: {  	s30 =	sld [smem:$0x0];
	_ =	sdelay $0x2  }
0x30: {  	s31 =	sshll.u32 s1, $0xD;
	s1 =	sshrl.u32 s1, $0x2  }
0x31: {  	s3 =	sand.u32 $0x4000, s31;
	s1 =	sadd.s32 s1, s30  }
0x32: {  	s0 =	sor.u32 s3, s0;
	s1 =	sshll.u32 s1, $0x11  }
0x33: {  	s0 =	sor.u32 s1, s0  }
0x34: {  	s0 =	sadd.s32 $0x8F2B, s0  }
0x35: {  	[sflag:s0] =	ssyncadd.remote.s32 $0x1  }
0x36: {  	_ =	sfence.sel $0xFFFF  }
0x37: {  	[dreg:$0x0] =	wrdreg $0xFFFFFFFF;
	(pc) =	sbr.abs _section_cstart, $3  }
0x38: {  	[dreg:$0x1] =	wrdreg $0xFFFFFFFF  }
0x39: {  	_ =	task.clear_ibuf [dreg:s7], $0x2FFFF;
	_ =	strace $0x9FFFFFFF  }
0x3a: {  	(tm) =	ssettm $0x7FFFFFFF  }
0x3b: {  	_ =	shalt  }
tec
execute0_lowered:
.L_overlay_start_1:
0x0: {  	(tag) =	ssettag $0x1  }
0x1: {  	s0 =	srdreg.scid  }
0x2: {  	s7 =	stileid.u32;
	s26 =	rddreg [dreg:$0x0];
	_ =	strace $0x8000004A  }
0x3: {  	s30 =	simm.s32 $0x1;
	s31 =	simm.s32 $0x2;
	s0 =	sshll.u32 s0, $0x4  }
0x4: {  	s25 =	simm.s32 $0x0;
	s14 =	simm.s32 $0x0;
	s0 =	sor.u32 s7, s0  }
0x5: {  	s27 =	simm.s32 $0x0;
	s22 =	simm.s32 $0x0;
	s0 =	sshrl.u32 s0, $0x1  }
0x6: {  	s23 =	simm.s32 $0x0;
	s24 =	simm.s32 $0x0;
	s1 =	sand.u32 $0xC, s0  }
0x7: {  	s15 =	simm.s32 $0x0;
	s2 =	sand.u32 $0x1, s7;
	s3 =	ssub.s32 $0x38, s1  }
0x8: {  	s16 =	simm.s32 $0x0;
	s4 =	ssub.s32 $0x2, s2;
	s5 =	sand.u32 $0xC, s3  }
0x9: {  	s6 =	sshrl.u32 s4, $0x1;
	p0 =	sne.s32 s5, $0x0;
	s5 =	simm.s32 $0x1  }
0xa: {  	s4 =	sand.u32 $0x1, s4;
	s3 =	sshrl.u32 s3, $0x4;
	s5 =	simm.s32 @!p0 $0x0  }
0xb: {  	s18 =	simm.s32 $0x0;
	s4 =	sadd.s32 s4, s6;
	s3 =	sadd.s32 s5, s3  }
0xc: {  	s21 =	simm.s32 $0x0;
	s28 =	sadd.s32 $0x258A00, s26;
	s3 =	smul.u32 s3, s4  }
.Ltmp0:
0xd: {  	s29 =	sshrl.u32 s7, $0x1;
	s9 =	sadd.s32 $0x27D600, s26;
	(pc) =	sbr.rel .LBB1_1-.Ltmp0, $4  }
0xe: {  	[sflag:s30] =	ssyncpa.u1 $0x0;
	s10 =	sadd.s32 $0x2A2200, s26;
	s11 =	sadd.s32 $0x2C6E00, s26  }
0xf: {  	s26 =	simm.s32 $0x0;
	[dreg:$0x3] =	wrdreg s28;
	s7 =	smul.u32 $0x15, s3  }
0x10: {  	s8 =	sand.u32 $0x3, s29;
	[sflag:s31] =	ssyncpa.u1 $0x0;
	s20 =	smov.u32 s2  }
0x11: {  	s19 =	smov.u32 s8;
	s17 =	smov.u32 s1;
	s12 =	sadd.s32 $0x1, s7  }
.LBB1_9:
0x12: {  	s0 =	sadd.s32 $0x80, s15  }
0x13: {  	s3 =	sadd.s32 $0x8, s16;
	s4 =	smov.u32 s16;
	p1 =	sgt.s32 s0, $0x17F  }
0x14: {  	s4 =	smov.u32 @p1 s3  }
0x15: {  	s5 =	smov.u32 s17;
	s3 =	sadd.s32 $0x10, s17;
	p2 =	sgt.s32 s4, $0x37  }
0x16: {  	s6 =	smov.u32 s18;
	s5 =	smov.u32 @p2 s3  }
0x17: {  	s13 =	smov.u32 s19;
	s3 =	sadd.s32 $0x4, s18;
	p3 =	sgt.s32 s5, $0x37  }
0x18: {  	p0 =	slt.u32 s21, $0x2;
	s28 =	smov.u32 s20;
	s6 =	smov.u32 @p3 s3  }
0x19: {  	s25 =	smov.u32 s15;
	s3 =	sadd.s32 $0x4, s19;
	p4 =	sgt.s32 s6, $0x3  }
0x1a: {  	s27 =	smov.u32 s16;
	s22 =	smov.u32 s17;
	s13 =	smov.u32 @p4 s3  }
0x1b: {  	s0 =	simm.s32 @p1 $0x0;
	s3 =	sadd.s32 $0x2, s20;
	p1 =	sgt.s32 s13, $0x3  }
0x1c: {  	s23 =	smov.u32 s18;
	s24 =	smov.u32 s19;
	s28 =	smov.u32 @p1 s3  }
0x1d: {  	s26 =	smov.u32 s20;
	s13 =	smov.u32 @p1 s8;
	p1 =	sgt.s32 s28, $0x1  }
0x1e: {  	s14 =	sadd.s32 $0x4000, s14;
	s28 =	smov.u32 @p1 s2;
	p1 =	sne.s32 s21, s12  }
.Ltmp1:
0x1f: {  	s15 =	smov.u32 s0;
	s4 =	simm.s32 @p2 $0x0;
	(pc) =	sbr.rel @!p1 .LBB1_10-.Ltmp1, $4  }
0x20: {  	s16 =	smov.u32 s4;
	s5 =	smov.u32 @p3 s1;
	s3 =	simm.s32 @!p0 $0x2  }
0x21: {  	s17 =	smov.u32 s5;
	s6 =	simm.s32 @p4 $0x0;
	_ =	swait.ge @!p0 [sflag:s3], $0x4000  }
0x22: {  	s18 =	smov.u32 s6;
	s19 =	smov.u32 s13;
	[sflag:s3] =	ssyncset.done @!p0 $0x0  }
0x23: {  	s21 =	sadd.s32 $0x1, s21;
	[sflag:s3] =	ssyncadd.s32 @!p0 $0xFFFFC000;
	s20 =	smov.u32 s28  }
.LBB1_1:
0x24: {  	p0 =	sge.u32 s21, s7  }
0x25: {  	s0 =	sshrl.u32 @!p0 s16, $0x3  }
0x26: {  	s3 =	sshll.u32 @!p0 s15, $0x3;
	s0 =	smul.u32 @!p0 $0xC00, s0  }
0x27: {  	s4 =	sshll.u32 @!p0 s16, $0x7;
	s3 =	sand.u32 @!p0 $0xFFFFFC00, s3  }
0x28: {  	s0 =	sadd.s32 @!p0 s0, s3;
	s3 =	sand.u32 @!p0 $0x380, s4  }
0x29: {  	s6 =	smul.u32 @!p0 $0x24C000, s20;
	s0 =	sor.u32 @!p0 s3, s0  }
0x2a: {  	s4 =	sand.u32 @!p0 $0x7F, s15;
	s3 =	smulhi.u32 @!p0 $0xAAAAAAAB, s0  }
0x2b: {  	s13 =	smul.u32 @!p0 $0x93000, s19;
	s0 =	sor.u32 @!p0 s4, s0  }
0x2c: {  	s5 =	smulhi.u32 @!p0 $0xAAAAAAAB, s0;
	s3 =	sshrl.u32 @!p0 s3, $0x8  }
0x2d: {  	s4 =	smulhi.u32 @!p0 $0x4924925, s3  }
0x2e: {  	s29 =	smul.u32 @!p0 $0x24C00, s18  }
0x2f: {  	s5 =	sshrl.u32 @!p0 s5, $0x8;
	s4 =	smul.u32 @!p0 $0x38, s4  }
0x30: {  	s28 =	sxor.u32 @!p0 $0xFFFFFFFF, s21;
	s5 =	smul.u32 @!p0 $0x180, s5  }
0x31: {  	s3 =	ssub.s32 @!p0 s3, s4;
	s4 =	sadd.s32 @!p0 s6, s13;
	s13 =	rddreg [dreg:$0x3]  }
0x32: {  	s28 =	sshll.u32 @!p0 s28, $0xE;
	s6 =	smul.u32 @!p0 $0xA80, s17;
	s13 =	sadd.s32 @!p0 s13, s29  }
0x33: {  	s0 =	ssub.s32 @!p0 s0, s5;
	s3 =	smul.u32 @!p0 $0x30, s3;
	s5 =	sadd.s32 @!p0 s4, s13  }
0x34: {  	s13 =	sand.u32 @!p0 $0x4000, s28;
	s28 =	sand.u32 @!p0 $0x7, s0;
	s5 =	sadd.s32 @!p0 s6, s5  }
0x35: {  	s0 =	sshrl.u32 @!p0 s0, $0x3;
	s28 =	sshll.u32 @!p0 s28, $0x12;
	s5 =	sadd.s32 @!p0 s3, s5  }
0x36: {  	s30 =	simm.s32 @!p0 $0x5400;
	s28 =	sor.u32 @!p0 $0x400, s28;
	s5 =	sadd.s32 @!p0 s0, s5  }
0x37: {  	[tilespmem:s13], [sflag:$0x1] =	stream.strided.gather @!p0 [hbm4b:s5+s28], $0x1000, s30, s28, $0x38;
	[tilespmem:$0x10000] =	vst v63  }
0x38: {  	s5 =	sadd.s32 @!p0 s29, s9  }
0x39: {  	s5 =	sadd.s32 @!p0 s4, s5  }
0x3a: {  	s5 =	sadd.s32 @!p0 s6, s5  }
0x3b: {  	s5 =	sadd.s32 @!p0 s3, s5  }
0x3c: {  	s31 =	sor.u32 @!p0 $0x1000, s13;
	s5 =	sadd.s32 @!p0 s0, s5  }
0x3d: {  	[tilespmem:s31], [sflag:$0x1] =	stream.strided.gather @!p0 [hbm4b:s5+s28], $0x1000, s30, s28, $0x38;
	[tilespmem:$0x10000] =	vst v63  }
0x3e: {  	s5 =	sadd.s32 @!p0 s29, s10  }
0x3f: {  	s5 =	sadd.s32 @!p0 s4, s5  }
0x40: {  	s5 =	sadd.s32 @!p0 s6, s5  }
0x41: {  	s5 =	sadd.s32 @!p0 s3, s5  }
0x42: {  	s31 =	sor.u32 @!p0 $0x2000, s13;
	s5 =	sadd.s32 @!p0 s0, s5  }
0x43: {  	[tilespmem:s31], [sflag:$0x1] =	stream.strided.gather @!p0 [hbm4b:s5+s28], $0x1000, s30, s28, $0x38;
	[tilespmem:$0x10000] =	vst v63  }
0x44: {  	s5 =	sadd.s32 @!p0 s29, s11  }
0x45: {  	s4 =	sadd.s32 @!p0 s4, s5  }
0x46: {  	s4 =	sadd.s32 @!p0 s6, s4  }
0x47: {  	s3 =	sadd.s32 @!p0 s3, s4  }
0x48: {  	s31 =	sadd.s32 $0xFFFFFFFF, s21;
	s0 =	sadd.s32 @!p0 s0, s3;
	s3 =	sor.u32 @!p0 $0x3000, s13  }
0x49: {  	[tilespmem:s3], [sflag:$0x1] =	stream.strided.gather @!p0 [hbm4b:s0+s28], $0x1000, s30, s28, $0x38;
	[tilespmem:$0x10000] =	vst v63  }
0x4a: {  	p0 =	sge.u32 s31, s7  }
.Ltmp2:
0x4b: {  	_ = 	snop;
	(pc) =	sbr.rel @p0 .LBB1_9-.Ltmp2, $1  }
0x4c: {  	_ =	sdelay $0x3  }
0x4d: {  	s3 =	sand.u32 $0x4000, s14;
	s5 =	simm.s32 $0x1  }
0x4e: {  	s4 =	sshll.u32 s21, $0xE;
	s31 =	simm.s32 $0x0;
	_ =	swait.ge [sflag:s5], $0x4000  }
0x4f: {  	s0 =	sor.u32 $0x8070, s3;
	s4 =	sand.u32 $0x4000, s4;
	[sflag:s5] =	ssyncset.done $0x0  }
0x50: {  	s3 =	sor.u32 $0x40, s3;
	s28 =	sor.u32 $0x8000, s4;
	[sflag:s5] =	ssyncadd.s32 $0xFFFFC000  }
.LBB1_3:
0x51: {  	s30 =	smov.u32 s3;
	s29 =	smov.u32 s0;
	s4 =	simm.s32 $0x0  }
.LBB1_4:
0x52: {  	v1 =	vmov s30;
	_ =	sdelay $0x3  }
0x53: {  	s13 =	simm.s32 $0x0  }
0x54: {  	v7 =	vld.idx.msk [tilespmem:v1+s13+$0x30 ss:$0x1], $0xffff  }
0x55: {  	v0 =	vmov s29;
	v8 =	vld.idx.msk [tilespmem:v1+s13+$0xFFFFFFC0 ss:$0x1], $0xffff  }
0x56: {  	v6 =	vld.idx.msk [tilespmem:v1+s13+$0xFFFFFFD0 ss:$0x1], $0xffff  }
0x57: {  	v5 =	vld.idx.msk [tilespmem:v1+s13+$0xFFFFFFE0 ss:$0x1], $0xffff  }
0x58: {  	v4 =	vld.idx.msk [tilespmem:v1+s13+$0xFFFFFFF0 ss:$0x1], $0xffff  }
0x59: {  	v2 =	vld.idx.msk [tilespmem:v1+s13+$0x0 ss:$0x1], $0xffff  }
0x5a: {  	v3 =	vld.idx.msk [tilespmem:v1+s13+$0x10 ss:$0x1], $0xffff;
	[tilespmem:v0+s13+$0x0 ss:$0x1] =	vst.idx.msk $0xffff, v7  }
0x5b: {  	s6 =	simm.s32 $0x80;
	s5 =	simm.s32 $0x400;
	[tilespmem:v0+s13+$0xFFFFFF90 ss:$0x1] =	vst.idx.msk $0xffff, v8;
	v7 =	vld.idx.msk [tilespmem:v1+s13+$0x20 ss:$0x1], $0xffff  }
.LBB1_5:
0x5c: {  	p0 =	sne.s32 s5, $0xE00;
	v8 =	vld.idx.msk [tilespmem:v1+s6+$0x30 ss:$0x1], $0xffff;
	[tilespmem:v0+s13+$0xFFFFFFA0 ss:$0x1] =	vst.idx.msk $0xffff, v6  }
0x5d: {  	v9 =	vld.idx.msk [tilespmem:v1+s6+$0xFFFFFFC0 ss:$0x1], $0xffff;
	[tilespmem:v0+s13+$0xFFFFFFB0 ss:$0x1] =	vst.idx.msk $0xffff, v5  }
0x5e: {  	v6 =	vld.idx.msk [tilespmem:v1+s6+$0xFFFFFFD0 ss:$0x1], $0xffff;
	[tilespmem:v0+s13+$0xFFFFFFC0 ss:$0x1] =	vst.idx.msk $0xffff, v4  }
.Ltmp3:
0x5f: {  	v5 =	vld.idx.msk [tilespmem:v1+s6+$0xFFFFFFE0 ss:$0x1], $0xffff;
	[tilespmem:v0+s13+$0xFFFFFFD0 ss:$0x1] =	vst.idx.msk $0xffff, v2;
	(pc) =	sbr.rel @p0 .LBB1_5-.Ltmp3, $4  }
0x60: {  	v4 =	vld.idx.msk [tilespmem:v1+s6+$0xFFFFFFF0 ss:$0x1], $0xffff;
	[tilespmem:v0+s13+$0xFFFFFFE0 ss:$0x1] =	vst.idx.msk $0xffff, v3  }
0x61: {  	v2 =	vld.idx.msk [tilespmem:v1+s6+$0x0 ss:$0x1], $0xffff;
	[tilespmem:v0+s13+$0xFFFFFFF0 ss:$0x1] =	vst.idx.msk $0xffff, v7;
	s13 =	smov.u32 s6  }
0x62: {  	v3 =	vld.idx.msk [tilespmem:v1+s13+$0x10 ss:$0x1], $0xffff;
	[tilespmem:v0+s13+$0x0 ss:$0x1] =	vst.idx.msk $0xffff, v8  }
0x63: {  	s6 =	sshra.s32 s5, $0x2;
	s5 =	sadd.s32 $0x200, s5;
	[tilespmem:v0+s13+$0xFFFFFF90 ss:$0x1] =	vst.idx.msk $0xffff, v9;
	v7 =	vld.idx.msk [tilespmem:v1+s13+$0x20 ss:$0x1], $0xffff  }
0x64: {  	_ =	sdelay $0x3  }
0x65: {  	[tilespmem:v0+s13+$0xFFFFFFA0 ss:$0x1] =	vst.idx.msk $0xffff, v6  }
0x66: {  	v56 =	vld.idx.msk [tilespmem:v1+s6+$0x30 ss:$0x1], $0xffff;
	[tilespmem:v0+s13+$0xFFFFFFB0 ss:$0x1] =	vst.idx.msk $0xffff, v5  }
0x67: {  	v57 =	vld.idx.msk [tilespmem:v1+s6+$0xFFFFFFC0 ss:$0x1], $0xffff;
	[tilespmem:v0+s13+$0xFFFFFFC0 ss:$0x1] =	vst.idx.msk $0xffff, v4  }
0x68: {  	v58 =	vld.idx.msk [tilespmem:v1+s6+$0xFFFFFFD0 ss:$0x1], $0xffff;
	[tilespmem:v0+s13+$0xFFFFFFD0 ss:$0x1] =	vst.idx.msk $0xffff, v2  }
0x69: {  	v59 =	vld.idx.msk [tilespmem:v1+s6+$0xFFFFFFE0 ss:$0x1], $0xffff;
	[tilespmem:v0+s13+$0xFFFFFFE0 ss:$0x1] =	vst.idx.msk $0xffff, v3  }
0x6a: {  	v60 =	vld.idx.msk [tilespmem:v1+s6+$0xFFFFFFF0 ss:$0x1], $0xffff;
	[tilespmem:v0+s13+$0xFFFFFFF0 ss:$0x1] =	vst.idx.msk $0xffff, v7  }
0x6b: {  	v61 =	vld.idx.msk [tilespmem:v1+s6+$0x0 ss:$0x1], $0xffff;
	[tilespmem:v0+s6+$0x0 ss:$0x1] =	vst.idx.msk $0xffff, v56  }
0x6c: {  	v62 =	vld.idx.msk [tilespmem:v1+s6+$0x10 ss:$0x1], $0xffff;
	s4 =	sadd.s32 $0x1, s4;
	[tilespmem:v0+s6+$0xFFFFFF90 ss:$0x1] =	vst.idx.msk $0xffff, v57  }
0x6d: {  	v63 =	vld.idx.msk [tilespmem:v1+s6+$0x20 ss:$0x1], $0xffff;
	p0 =	sne.s32 s4, $0x4;
	[tilespmem:v0+s6+$0xFFFFFFA0 ss:$0x1] =	vst.idx.msk $0xffff, v58  }
.Ltmp4:
0x6e: {  	[tilespmem:v0+s6+$0xFFFFFFB0 ss:$0x1] =	vst.idx.msk $0xffff, v59;
	(pc) =	sbr.rel @p0 .LBB1_4-.Ltmp4, $4  }
0x6f: {  	[tilespmem:v0+s6+$0xFFFFFFC0 ss:$0x1] =	vst.idx.msk $0xffff, v60  }
0x70: {  	[tilespmem:v0+s6+$0xFFFFFFD0 ss:$0x1] =	vst.idx.msk $0xffff, v61  }
0x71: {  	[tilespmem:v0+s6+$0xFFFFFFE0 ss:$0x1] =	vst.idx.msk $0xffff, v62  }
0x72: {  	s29 =	sadd.s32 $0x1000, s29;
	s30 =	sadd.s32 $0x400, s30;
	[tilespmem:v0+s6+$0xFFFFFFF0 ss:$0x1] =	vst.idx.msk $0xffff, v63  }
0x73: {  	s31 =	sadd.s32 $0x1, s31  }
0x74: {  	p0 =	sne.s32 s31, $0x4  }
.Ltmp5:
0x75: {  	_ = 	snop;
	(pc) =	sbr.rel @p0 .LBB1_3-.Ltmp5, $2  }
0x76: {  	_ =	sdelay $0x2  }
0x77: {  	s0 =	sadd.s32 $0x400, s0;
	s3 =	sadd.s32 $0x1000, s3  }
0x78: {  	s0 =	sshrl.u32 s27, $0x3  }
0x79: {  	s3 =	sshll.u32 s25, $0x3;
	s0 =	smul.u32 $0xC00, s0  }
0x7a: {  	s4 =	sshll.u32 s27, $0x7;
	s3 =	sand.u32 $0xFFFFFC00, s3  }
0x7b: {  	s29 =	sand.u32 $0x380, s4;
	s0 =	sadd.s32 s0, s3  }
0x7c: {  	s30 =	sand.u32 $0x7F, s25;
	s6 =	smul.u32 $0x24C000, s26;
	s0 =	sor.u32 s29, s0  }
0x7d: {  	s3 =	sor.u32 s30, s0;
	s0 =	smulhi.u32 $0xAAAAAAAB, s0  }
0x7e: {  	s13 =	smul.u32 $0x93000, s24  }
0x7f: {  	s23 =	smul.u32 $0xA80, s23;
	s0 =	sshrl.u32 s0, $0x8  }
0x80: {  	s5 =	smulhi.u32 $0x4924925, s0  }
0x81: {  	s4 =	smulhi.u32 $0xAAAAAAAB, s3  }
0x82: {  	s5 =	smul.u32 $0x38, s5  }
0x83: {  	s31 =	rddreg [dreg:$0x1];
	s25 =	smul.u32 $0x2A00, s22;
	s4 =	sshrl.u32 s4, $0x8  }
0x84: {  	s6 =	sadd.s32 s31, s6;
	s4 =	smul.u32 $0x180, s4;
	s0 =	ssub.s32 s0, s5  }
0x85: {  	s6 =	sadd.s32 s13, s6;
	s0 =	smul.u32 $0x30, s0  }
.Ltmp6:
0x86: {  	s26 =	sadd.s32 s23, s6;
	s3 =	ssub.s32 s3, s4;
	(pc) =	sbr.rel .LBB1_9-.Ltmp6, $4  }
0x87: {  	s4 =	sadd.s32 s25, s26;
	s27 =	sand.u32 $0x7, s3  }
0x88: {  	s3 =	sshrl.u32 s3, $0x3;
	s29 =	sshll.u32 s27, $0x12;
	s0 =	sadd.s32 s0, s4  }
0x89: {  	s31 =	simm.s32 $0x5400;
	s30 =	sor.u32 $0x400, s29;
	s0 =	sadd.s32 s3, s0  }
0x8a: {  	[hbm4b:s0+s30] =	stream.strided.scatter [tilespmem:s28], [sflag:$0x2], $0x4000, s31, s30, $0x38;
	[tilespmem:$0x10000] =	vst v63  }
.LBB1_10:
0x8b: {  	_ =	sfence.sel $0x180000  }
0x8c: {  	s0 =	simm.s32 $0x1;
	[bflag:$0x0] =	sbarrier.arrive $0xFFFF  }
0x8d: {  	s30 =	simm.s32 $0x2;
	[sflag:s0] =	ssyncpa.u1 $0x1  }
0x8e: {  	[sflag:s30] =	ssyncpa.u1 $0x1  }
0x8f: {  	_ =	strace $0x9000004A  }
0x90: {  	s31 =	stileid.u32;
	[bflag:$0x2] =	sbarrier.arrive $0xFFFF  }
0x91: {  	p0 =	sne.s32 s31, $0x0;
	s0 =	rddreg [dreg:$0x2]  }
0x92: {  	s0 =	sadd.s32 @!p0 $0x100000, s0  }
0x93: {  	[sflag:s0] =	ssyncadd.tile.s32 @!p0 $0x1;
	_ =	shalt  }
.Lfunc_end1:
_tile_overlayer_lowered:
.L_overlay_start_2:
0x94: {  	(tag) =	ssettag $0x2  }
0x95: {  	s0 =	rddreg [dreg:$0x0];
	s2 =	stileid.u32  }
0x96: {  	s1 =	rddreg [dreg:$0x1];
	p0 =	sne.s32 s2, $0x0  }
0x97: {  	s3 =	rddreg [dreg:$0x2];
	[bflag:$0x3] =	sbarrier.arrive $0xFFFF;
	s2 =	simm.s32 @!p0 $0x1C01  }
0x98: {  	[timem:s3], [sflag:s2] =	dma.local @!p0 [hbm:s0], s1  }
0x99: {  	s0 =	simm.s32 @!p0 $0x1  }
0x9a: {  	_ =	swait.ge @!p0 [sflag:s0], s1  }
0x9b: {  	s1 =	ssub.s32 @!p0 $0x0, s1;
	[sflag:s0] =	ssyncset.done @!p0 $0x0  }
0x9c: {  	[sflag:s0] =	ssyncadd.s32 @!p0 s1  }
0x9d: {  	[bflag:$0x3] =	sbarrier.arrive $0xFFFF  }
0x9e: {  	_ =	shalt  }

</sc_bundles>
